<compile_context>
chip_gen: v7x
topology: tpu7x:2x2x1
jax: 0.10.2.dev20260603
libtpu: 0.0.44.dev20260713+nightly
codegen_flags: <defaults>
</compile_context>

<pallas_src>
import functools

import jax
import jax.numpy as jnp
from jax import lax
from jax.experimental import pallas as pl
from jax.experimental.pallas import tpu as pltpu
from jax.experimental.pallas import tpu_sc as plsc

V = 1000
VP = 1024
NTOK = 51200
NC, NS, L = 2, 16, 16
NW = NC * NS
PER_W = NTOK // NW
CH = 32
NCHUNK = PER_W // CH
C8 = V // 8
RB = NTOK // 128
BLK = 128 * VP


def _logz_body(tab_ref, out_ref):
    x = tab_ref[...]
    m = jnp.max(x, axis=1, keepdims=True)
    e = jnp.exp(x - m)
    out_ref[...] = jnp.log(jnp.sum(e, axis=1, keepdims=True)) + m


_logz_call = pl.pallas_call(
    _logz_body,
    out_shape=jax.ShapeDtypeStruct((V, 1), jnp.float32),
)


def _loss_body(p_ref, out_ref):
    s = jnp.sum(p_ref[...]) * jnp.float32(1.0 / NTOK)
    out_ref[...] = jnp.full((1, 1), s, jnp.float32)


_loss_call = pl.pallas_call(
    _loss_body,
    out_shape=jax.ShapeDtypeStruct((1, 1), jnp.float32),
)


RBM = 8


def _relayout_body(in_ref, out_ref):
    x = in_ref[...]
    for s in range(RBM):
        xs = x[s * BLK:(s + 1) * BLK]
        x4 = xs.reshape(16, 8, 8, 128)
        y = jnp.swapaxes(x4, 1, 2)
        for j in range(8):
            z = y[:, j].reshape(128, 128)
            zt = z.T
            n = 13 if j == 7 else 16
            out_ref[pl.ds(16 * j, n), s] = zt.reshape(16, 8, 128)[:n]


_relayout_call = pl.pallas_call(
    _relayout_body,
    grid=(RB // RBM,),
    in_specs=[pl.BlockSpec((RBM * BLK,), lambda rb: (rb,))],
    out_specs=pl.BlockSpec((C8, RBM, 8, 128), lambda rb: (0, rb, 0, 0)),
    out_shape=jax.ShapeDtypeStruct((C8, RB, 8, 128), jnp.float32),
    compiler_params=pltpu.CompilerParams(
        dimension_semantics=("parallel",)),
)


@functools.cache
def _make_sc_gather():
    mesh = plsc.VectorSubcoreMesh(core_axis_name="c", subcore_axis_name="s")
    return pl.kernel(
        _sc_gather_body,
        mesh=mesh,
        compiler_params=pltpu.CompilerParams(
            use_tc_tiling_on_sc=False, needs_layout_passes=False),
        out_type=[
            jax.ShapeDtypeStruct((NTOK, VP), jnp.float32),
            jax.ShapeDtypeStruct((NW, L), jnp.float32),
        ],
        scratch_types=[
            pltpu.VMEM((PER_W,), jnp.int32),
            pltpu.VMEM((PER_W,), jnp.int32),
            pltpu.VMEM((V,), jnp.float32),
            pltpu.VMEM((L,), jnp.float32),
            pltpu.VMEM((CH, V), jnp.float32),
            pltpu.VMEM((CH, V), jnp.float32),
            pltpu.SemaphoreType.DMA,
            pltpu.SemaphoreType.DMA,
            pltpu.SemaphoreType.DMA,
            pltpu.SemaphoreType.DMA,
        ],
    )


def _sc_gather_body(table_hbm, idx_hbm, tgt_hbm, logz_hbm, out_hbm, part_hbm,
                    idx_v, tgt_v, logz_v, acc_v, buf0, buf1,
                    gs0, gs1, ss0, ss1):
    wid = lax.axis_index("s") * NC + lax.axis_index("c")
    base = wid * PER_W
    bufs = (buf0, buf1)
    gsems = (gs0, gs1)
    ssems = (ss0, ss1)

    pltpu.sync_copy(idx_hbm.at[pl.ds(base, PER_W)], idx_v)
    pltpu.sync_copy(tgt_hbm.at[pl.ds(base, PER_W)], tgt_v)
    pltpu.sync_copy(logz_hbm, logz_v)
    acc_v[...] = jnp.zeros((L,), jnp.float32)

    def _gather(c, b):
        pltpu.make_async_copy(
            table_hbm.at[idx_v.at[pl.ds(c * CH, CH)]], bufs[b], gsems[b]
        ).start()

    def _gather_wait(c, b):
        pltpu.make_async_copy(
            table_hbm.at[idx_v.at[pl.ds(c * CH, CH)]], bufs[b], gsems[b]
        ).wait()

    def _scatter(c, b):
        pltpu.make_async_copy(
            bufs[b], out_hbm.at[pl.ds(base + c * CH, CH), pl.ds(0, V)],
            ssems[b]
        ).start()

    def _scatter_wait(c, b):
        pltpu.make_async_copy(
            bufs[b], out_hbm.at[pl.ds(base + c * CH, CH), pl.ds(0, V)],
            ssems[b]
        ).wait()

    iota = lax.iota(jnp.int32, L)

    def _loss_update(c, b):
        for g in range(CH // L):
            off = c * CH + g * L
            rows = iota + g * L
            cols = tgt_v[pl.ds(off, L)]
            ii = idx_v[pl.ds(off, L)]
            vv = plsc.load_gather(bufs[b], [rows, cols])
            zz = plsc.load_gather(logz_v, [ii])
            acc_v[...] = acc_v[...] + (zz - vv)

    _gather(0, 0)

    def _pair(i, _):
        for b in range(2):
            c = i * 2 + b
            nb = 1 - b

            @pl.when(c + 1 < NCHUNK)
            def _():
                @pl.when(c >= 1)
                def _():
                    _scatter_wait(c - 1, nb)
                _gather(c + 1, nb)

            _gather_wait(c, b)
            _loss_update(c, b)
            _scatter(c, b)
        return ()

    lax.fori_loop(0, NCHUNK // 2, _pair, ())

    _scatter_wait(NCHUNK - 2, 0)
    _scatter_wait(NCHUNK - 1, 1)
    pltpu.sync_copy(acc_v, part_hbm.at[wid])


def kernel(idx, targets, table):
    idx_f = idx.reshape(-1).astype(jnp.int32)
    tgt_f = targets.reshape(-1).astype(jnp.int32)
    logz = _logz_call(table).reshape(-1)
    raw, parts = _make_sc_gather()(table, idx_f, tgt_f, logz)
    logits_t = _relayout_call(raw.reshape(-1))
    logits = logits_t.transpose(1, 3, 0, 2).reshape(NTOK, V)
    loss = _loss_call(parts)[0, 0]
    return logits, loss

# --- scband reference (transcript-rebuilt; emitter-appended) ---
"""Pipeline reference for scband-bigram-language-model-61031485276735 (READ-ONLY COPY).

The authoritative reference and input builder live on the scoring server;
editing this copy changes nothing except your own understanding.
"""

import jax, jax.numpy as jnp
import numpy as np

VOCAB = 1000
B, T = 1024, 50


def setup_inputs(seed: int = 0) -> dict:
    key = jax.random.key(seed)
    k1, k2, k3 = jax.random.split(key, 3)
    idx = jax.random.randint(k1, (B, T), 0, VOCAB, dtype=jnp.int64)
    targets = jax.random.randint(k2, (B, T), 0, VOCAB, dtype=jnp.int64)
    # Embedding table: (vocab_size, vocab_size), Keras Embedding default uniform init
    table = jax.random.uniform(k3, (VOCAB, VOCAB), dtype=jnp.float32, minval=-0.05, maxval=0.05)
    return {"idx": idx, "targets": targets, "table": table}


def reference(idx, targets, table):
    # logits = token_embedding_table(idx) -> gather rows
    logits = jnp.take(table, idx, axis=0)  # (B, T, C)
    Bd, Td, Cd = logits.shape
    logits = logits.reshape(Bd * Td, Cd)
    t = targets.reshape(Bd * Td)
    # sparse softmax cross entropy with integer labels
    logz = jax.nn.logsumexp(logits, axis=-1)
    ll = jnp.take_along_axis(logits, t[:, None], axis=1)[:, 0]
    loss = jnp.mean(logz - ll)
    return logits, loss

if __name__ == "__main__":
    import jax
    _d = setup_inputs()
    print(jax.jit(kernel)(*tuple(_d.values())))

</pallas_src>

<mosaic_0001>
#map = affine_map<(d0, d1) -> (0, 0)>
#map1 = affine_map<(d0, d1) -> (0)>
module attributes {stable_mosaic.version = 14 : i64} {
  func.func @_sc_gather_body(%arg0: i32, %arg1: i32, %arg2: memref<1000x1000xf32, #tpu.memory_space<hbm>>, %arg3: memref<51200xi32, #tpu.memory_space<hbm>>, %arg4: memref<51200xi32, #tpu.memory_space<hbm>>, %arg5: memref<1000xf32, #tpu.memory_space<hbm>>, %arg6: memref<51200x1024xf32, #tpu.memory_space<hbm>>, %arg7: memref<32x16xf32, #tpu.memory_space<hbm>>, %arg8: memref<1600xi32, #tpu.memory_space<vmem>>, %arg9: memref<1600xi32, #tpu.memory_space<vmem>>, %arg10: memref<1000xf32, #tpu.memory_space<vmem>>, %arg11: memref<16xf32, #tpu.memory_space<vmem>>, %arg12: memref<32x1000xf32, #tpu.memory_space<vmem>>, %arg13: memref<32x1000xf32, #tpu.memory_space<vmem>>, %arg14: memref<!tpu.dma_semaphore, #tpu.memory_space<semaphore_mem>>, %arg15: memref<!tpu.dma_semaphore, #tpu.memory_space<semaphore_mem>>, %arg16: memref<!tpu.dma_semaphore, #tpu.memory_space<semaphore_mem>>, %arg17: memref<!tpu.dma_semaphore, #tpu.memory_space<semaphore_mem>>) attributes {dimension_semantics = [#tpu.dimension_semantics<core_parallel>, #tpu.dimension_semantics<subcore_parallel>], iteration_bounds = array<i64: 2, 16>, scalar_prefetch = 0 : i64, scratch_operands = 10 : i64, tpu.core_type = #tpu.core_type<sc_vector_subcore>, window_params = [{transform_indices = #map}, {transform_indices = #map1}, {transform_indices = #map1}, {transform_indices = #map1}, {transform_indices = #map}, {transform_indices = #map}]} {
    %mul3A = arith.constant 2 : i32
    %mul3A_0 = arith.muli %arg1, %mul3A : i32
    %add3A = arith.addi %mul3A_0, %arg0 : i32
    %mul3A_1 = arith.constant 1600 : i32
    %mul3A_2 = arith.muli %add3A, %mul3A_1 : i32
    "tpu.region"() ({
      %run_scoped3A = tpu.sem_alloc : memref<!tpu.dma_semaphore, #tpu.memory_space<semaphore_mem>>
      %dma_start3A_24 = tpu.memref_slice %arg3[%mul3A_2] : memref<51200xi32, #tpu.memory_space<hbm>> -> memref<1600xi32, #tpu.memory_space<hbm>>
      %dma_start3A_25 = tpu.memref_slice %arg3[%mul3A_2] : memref<51200xi32, #tpu.memory_space<hbm>> -> memref<1600xi32, #tpu.memory_space<hbm>>
      tpu.enqueue_dma source(%dma_start3A_25 : memref<1600xi32, #tpu.memory_space<hbm>>) target(%arg8 : memref<1600xi32, #tpu.memory_space<vmem>>) target_semaphore(%run_scoped3A : memref<!tpu.dma_semaphore, #tpu.memory_space<semaphore_mem>>)
      %dma_wait3A_26 = tpu.memref_slice %arg3[%mul3A_2] : memref<51200xi32, #tpu.memory_space<hbm>> -> memref<1600xi32, #tpu.memory_space<hbm>>
      %dma_wait3A_27 = tpu.memref_slice %arg3[%mul3A_2] : memref<51200xi32, #tpu.memory_space<hbm>> -> memref<1600xi32, #tpu.memory_space<hbm>>
      tpu.wait_dma2 semaphore(%run_scoped3A : memref<!tpu.dma_semaphore, #tpu.memory_space<semaphore_mem>>) src(%dma_wait3A_27 : memref<1600xi32, #tpu.memory_space<hbm>>) dst(%arg8 : memref<1600xi32, #tpu.memory_space<vmem>>)
      tpu.yield
    }) : () -> ()
    "tpu.region"() ({
      %run_scoped3A = tpu.sem_alloc : memref<!tpu.dma_semaphore, #tpu.memory_space<semaphore_mem>>
      %dma_start3A_24 = tpu.memref_slice %arg4[%mul3A_2] : memref<51200xi32, #tpu.memory_space<hbm>> -> memref<1600xi32, #tpu.memory_space<hbm>>
      %dma_start3A_25 = tpu.memref_slice %arg4[%mul3A_2] : memref<51200xi32, #tpu.memory_space<hbm>> -> memref<1600xi32, #tpu.memory_space<hbm>>
      tpu.enqueue_dma source(%dma_start3A_25 : memref<1600xi32, #tpu.memory_space<hbm>>) target(%arg9 : memref<1600xi32, #tpu.memory_space<vmem>>) target_semaphore(%run_scoped3A : memref<!tpu.dma_semaphore, #tpu.memory_space<semaphore_mem>>)
      %dma_wait3A_26 = tpu.memref_slice %arg4[%mul3A_2] : memref<51200xi32, #tpu.memory_space<hbm>> -> memref<1600xi32, #tpu.memory_space<hbm>>
      %dma_wait3A_27 = tpu.memref_slice %arg4[%mul3A_2] : memref<51200xi32, #tpu.memory_space<hbm>> -> memref<1600xi32, #tpu.memory_space<hbm>>
      tpu.wait_dma2 semaphore(%run_scoped3A : memref<!tpu.dma_semaphore, #tpu.memory_space<semaphore_mem>>) src(%dma_wait3A_27 : memref<1600xi32, #tpu.memory_space<hbm>>) dst(%arg9 : memref<1600xi32, #tpu.memory_space<vmem>>)
      tpu.yield
    }) : () -> ()
    "tpu.region"() ({
      %run_scoped3A = tpu.sem_alloc : memref<!tpu.dma_semaphore, #tpu.memory_space<semaphore_mem>>
      tpu.enqueue_dma source(%arg5 : memref<1000xf32, #tpu.memory_space<hbm>>) target(%arg10 : memref<1000xf32, #tpu.memory_space<vmem>>) target_semaphore(%run_scoped3A : memref<!tpu.dma_semaphore, #tpu.memory_space<semaphore_mem>>)
      tpu.wait_dma2 semaphore(%run_scoped3A : memref<!tpu.dma_semaphore, #tpu.memory_space<semaphore_mem>>) src(%arg5 : memref<1000xf32, #tpu.memory_space<hbm>>) dst(%arg10 : memref<1000xf32, #tpu.memory_space<vmem>>)
      tpu.yield
    }) : () -> ()
    %broadcast_in_dim3A = arith.constant 0.000000e+00 : f32
    %broadcast_in_dim3A_3 = vector.broadcast %broadcast_in_dim3A : f32 to vector<16xf32>
    %swap3A = arith.constant 0 : index
    %swap3A_4 = tpu.vector_load %arg11[%swap3A] {strides = array<i32>} : memref<16xf32, #tpu.memory_space<vmem>>, vector<16xf32>,
    tpu.vector_store %arg11[%swap3A], %broadcast_in_dim3A_3 {strides = array<i32>} : memref<16xf32, #tpu.memory_space<vmem>>, vector<16xf32>,
    %iota3A = tpu.iota {dimensions = array<i32: 0>} : vector<16xi32>
    %dma_start3A = arith.constant 0 : i32
    %dma_start3A_5 = tpu.memref_slice %arg8[%dma_start3A] : memref<1600xi32, #tpu.memory_space<vmem>> -> memref<32xi32, #tpu.memory_space<vmem>>
    %dma_start3A_6 = arith.constant 0 : i32
    %dma_start3A_7 = arith.constant 0 : i32
    %dma_start3A_8 = tpu.memref_slice %arg2[%dma_start3A_6, %dma_start3A_7] : memref<1000x1000xf32, #tpu.memory_space<hbm>> -> memref<1000x1000xf32, #tpu.memory_space<hbm>>
    tpu.enqueue_indirect_dma source(%dma_start3A_8 : memref<1000x1000xf32, #tpu.memory_space<hbm>>) target(%arg12 : memref<32x1000xf32, #tpu.memory_space<vmem>>) offsets(%dma_start3A_5 : memref<32xi32, #tpu.memory_space<vmem>>) semaphore(%arg14 : memref<!tpu.dma_semaphore, #tpu.memory_space<semaphore_mem>>)
    %scan3A = arith.constant 0 : i32
    %scan3A_9 = arith.constant 25 : i32
    %scan3A_10 = arith.addi %scan3A, %scan3A_9 : i32
    %scan3A_11 = arith.constant 1 : i32
    scf.for %scan3A_24 = %scan3A to %scan3A_10 step %scan3A_11  : i32 {
      %mul3A_25 = arith.constant 2 : i32
      %mul3A_26 = arith.muli %scan3A_24, %mul3A_25 : i32
      %add3A_27 = arith.constant 0 : i32
      %add3A_28 = arith.addi %mul3A_26, %add3A_27 : i32
      %add3A_29 = arith.constant 1 : i32
      %add3A_30 = arith.addi %add3A_28, %add3A_29 : i32
      %lt3A = arith.constant 50 : i32
      %lt3A_31 = arith.cmpi slt, %add3A_30, %lt3A : i32
      %convert_element_type3A = arith.extui %lt3A_31 : i1 to i32
      %cond3A = arith.constant 0 : i32
      %cond3A_32 = arith.cmpi ne, %convert_element_type3A, %cond3A : i32
      scf.if %cond3A_32 {
        %ge3A = arith.constant 1 : i32
        %ge3A_143 = arith.cmpi sge, %add3A_28, %ge3A : i32
        %convert_element_type3A_144 = arith.extui %ge3A_143 : i1 to i32
        %cond3A_145 = arith.constant 0 : i32
        %cond3A_146 = arith.cmpi ne, %convert_element_type3A_144, %cond3A_145 : i32
        scf.if %cond3A_146 {
          %sub3A_155 = arith.constant 1 : i32
          %sub3A_156 = arith.subi %add3A_28, %sub3A_155 : i32
          %mul3A_157 = arith.constant 32 : i32
          %mul3A_158 = arith.muli %sub3A_156, %mul3A_157 : i32
          %add3A_159 = arith.addi %mul3A_2, %mul3A_158 : i32
          %dma_wait3A_160 = arith.constant 0 : i32
          %dma_wait3A_161 = tpu.memref_slice %arg6[%add3A_159, %dma_wait3A_160] : memref<51200x1024xf32, #tpu.memory_space<hbm>> -> memref<32x1000xf32, #tpu.memory_space<hbm>>
          %dma_wait3A_162 = arith.constant 0 : i32
          %dma_wait3A_163 = tpu.memref_slice %arg6[%add3A_159, %dma_wait3A_162] : memref<51200x1024xf32, #tpu.memory_space<hbm>> -> memref<32x1000xf32, #tpu.memory_space<hbm>>
          tpu.wait_dma2 semaphore(%arg17 : memref<!tpu.dma_semaphore, #tpu.memory_space<semaphore_mem>>) src(%arg13 : memref<32x1000xf32, #tpu.memory_space<vmem>>) dst(%dma_wait3A_163 : memref<32x1000xf32, #tpu.memory_space<hbm>>)
        } else {
        }
        %add3A_147 = arith.constant 1 : i32
        %add3A_148 = arith.addi %add3A_28, %add3A_147 : i32
        %mul3A_149 = arith.constant 32 : i32
        %mul3A_150 = arith.muli %add3A_148, %mul3A_149 : i32
        %dma_start3A_151 = tpu.memref_slice %arg8[%mul3A_150] : memref<1600xi32, #tpu.memory_space<vmem>> -> memref<32xi32, #tpu.memory_space<vmem>>
        %dma_start3A_152 = arith.constant 0 : i32
        %dma_start3A_153 = arith.constant 0 : i32
        %dma_start3A_154 = tpu.memref_slice %arg2[%dma_start3A_152, %dma_start3A_153] : memref<1000x1000xf32, #tpu.memory_space<hbm>> -> memref<1000x1000xf32, #tpu.memory_space<hbm>>
        tpu.enqueue_indirect_dma source(%dma_start3A_154 : memref<1000x1000xf32, #tpu.memory_space<hbm>>) target(%arg13 : memref<32x1000xf32, #tpu.memory_space<vmem>>) offsets(%dma_start3A_151 : memref<32xi32, #tpu.memory_space<vmem>>) semaphore(%arg15 : memref<!tpu.dma_semaphore, #tpu.memory_space<semaphore_mem>>)
      } else {
      }
      %mul3A_33 = arith.constant 32 : i32
      %mul3A_34 = arith.muli %add3A_28, %mul3A_33 : i32
      %dma_wait3A_35 = tpu.memref_slice %arg8[%mul3A_34] : memref<1600xi32, #tpu.memory_space<vmem>> -> memref<32xi32, #tpu.memory_space<vmem>>
      %dma_wait3A_36 = arith.constant 0 : i32
      %dma_wait3A_37 = arith.constant 0 : i32
      %dma_wait3A_38 = tpu.memref_slice %arg2[%dma_wait3A_36, %dma_wait3A_37] : memref<1000x1000xf32, #tpu.memory_space<hbm>> -> memref<1000x1000xf32, #tpu.memory_space<hbm>>
      tpu.wait_indirect_dma semaphore(%arg14 : memref<!tpu.dma_semaphore, #tpu.memory_space<semaphore_mem>>) src(%dma_wait3A_38 : memref<1000x1000xf32, #tpu.memory_space<hbm>>) dst(%arg12 : memref<32x1000xf32, #tpu.memory_space<vmem>>)
      %mul3A_39 = arith.constant 32 : i32
      %mul3A_40 = arith.muli %add3A_28, %mul3A_39 : i32
      %add3A_41 = arith.constant 0 : i32
      %add3A_42 = arith.addi %mul3A_40, %add3A_41 : i32
      %add3A_43 = arith.constant 0 : i32
      %add3A_44 = vector.broadcast %add3A_43 : i32 to vector<16xi32>
      %add3A_45 = arith.addi %iota3A, %add3A_44 : vector<16xi32>
      %get3A = arith.index_cast %add3A_42 : i32 to index
      %get3A_46 = tpu.vector_load %arg9[%get3A] {strides = array<i32>} : memref<1600xi32, #tpu.memory_space<vmem>>, vector<16xi32>,
      %get3A_47 = arith.index_cast %add3A_42 : i32 to index
      %get3A_48 = tpu.vector_load %arg8[%get3A_47] {strides = array<i32>} : memref<1600xi32, #tpu.memory_space<vmem>>, vector<16xi32>,
      %gather3A = tpu.vector_load_idx %arg12[%add3A_45, %get3A_46] : memref<32x1000xf32, #tpu.memory_space<vmem>>[vector<16xi32>, vector<16xi32>], vector<16xf32>,
      %gather3A_49 = tpu.vector_load_idx %arg10[%get3A_48] : memref<1000xf32, #tpu.memory_space<vmem>>[vector<16xi32>], vector<16xf32>,
      %get3A_50 = arith.constant 0 : index
      %get3A_51 = tpu.vector_load %arg11[%get3A_50] {strides = array<i32>} : memref<16xf32, #tpu.memory_space<vmem>>, vector<16xf32>,
      %sub3A = arith.subf %gather3A_49, %gather3A : vector<16xf32>
      %add3A_52 = arith.addf %get3A_51, %sub3A : vector<16xf32>
      %swap3A_53 = arith.constant 0 : index
      %swap3A_54 = tpu.vector_load %arg11[%swap3A_53] {strides = array<i32>} : memref<16xf32, #tpu.memory_space<vmem>>, vector<16xf32>,
      tpu.vector_store %arg11[%swap3A_53], %add3A_52 {strides = array<i32>} : memref<16xf32, #tpu.memory_space<vmem>>, vector<16xf32>,
      %mul3A_55 = arith.constant 32 : i32
      %mul3A_56 = arith.muli %add3A_28, %mul3A_55 : i32
      %add3A_57 = arith.constant 16 : i32
      %add3A_58 = arith.addi %mul3A_56, %add3A_57 : i32
      %add3A_59 = arith.constant 16 : i32
      %add3A_60 = vector.broadcast %add3A_59 : i32 to vector<16xi32>
      %add3A_61 = arith.addi %iota3A, %add3A_60 : vector<16xi32>
      %get3A_62 = arith.index_cast %add3A_58 : i32 to index
      %get3A_63 = tpu.vector_load %arg9[%get3A_62] {strides = array<i32>} : memref<1600xi32, #tpu.memory_space<vmem>>, vector<16xi32>,
      %get3A_64 = arith.index_cast %add3A_58 : i32 to index
      %get3A_65 = tpu.vector_load %arg8[%get3A_64] {strides = array<i32>} : memref<1600xi32, #tpu.memory_space<vmem>>, vector<16xi32>,
      %gather3A_66 = tpu.vector_load_idx %arg12[%add3A_61, %get3A_63] : memref<32x1000xf32, #tpu.memory_space<vmem>>[vector<16xi32>, vector<16xi32>], vector<16xf32>,
      %gather3A_67 = tpu.vector_load_idx %arg10[%get3A_65] : memref<1000xf32, #tpu.memory_space<vmem>>[vector<16xi32>], vector<16xf32>,
      %get3A_68 = arith.constant 0 : index
      %get3A_69 = tpu.vector_load %arg11[%get3A_68] {strides = array<i32>} : memref<16xf32, #tpu.memory_space<vmem>>, vector<16xf32>,
      %sub3A_70 = arith.subf %gather3A_67, %gather3A_66 : vector<16xf32>
      %add3A_71 = arith.addf %get3A_69, %sub3A_70 : vector<16xf32>
      %swap3A_72 = arith.constant 0 : index
      %swap3A_73 = tpu.vector_load %arg11[%swap3A_72] {strides = array<i32>} : memref<16xf32, #tpu.memory_space<vmem>>, vector<16xf32>,
      tpu.vector_store %arg11[%swap3A_72], %add3A_71 {strides = array<i32>} : memref<16xf32, #tpu.memory_space<vmem>>, vector<16xf32>,
      %mul3A_74 = arith.constant 32 : i32
      %mul3A_75 = arith.muli %add3A_28, %mul3A_74 : i32
      %add3A_76 = arith.addi %mul3A_2, %mul3A_75 : i32
      %dma_start3A_77 = arith.constant 0 : i32
      %dma_start3A_78 = tpu.memref_slice %arg6[%add3A_76, %dma_start3A_77] : memref<51200x1024xf32, #tpu.memory_space<hbm>> -> memref<32x1000xf32, #tpu.memory_space<hbm>>
      %dma_start3A_79 = arith.constant 0 : i32
      %dma_start3A_80 = tpu.memref_slice %arg6[%add3A_76, %dma_start3A_79] : memref<51200x1024xf32, #tpu.memory_space<hbm>> -> memref<32x1000xf32, #tpu.memory_space<hbm>>
      tpu.enqueue_dma source(%arg12 : memref<32x1000xf32, #tpu.memory_space<vmem>>) target(%dma_start3A_80 : memref<32x1000xf32, #tpu.memory_space<hbm>>) target_semaphore(%arg16 : memref<!tpu.dma_semaphore, #tpu.memory_space<semaphore_mem>>)
      %mul3A_81 = arith.constant 2 : i32
      %mul3A_82 = arith.muli %scan3A_24, %mul3A_81 : i32
      %add3A_83 = arith.constant 1 : i32
      %add3A_84 = arith.addi %mul3A_82, %add3A_83 : i32
      %add3A_85 = arith.constant 1 : i32
      %add3A_86 = arith.addi %add3A_84, %add3A_85 : i32
      %lt3A_87 = arith.constant 50 : i32
      %lt3A_88 = arith.cmpi slt, %add3A_86, %lt3A_87 : i32
      %convert_element_type3A_89 = arith.extui %lt3A_88 : i1 to i32
      %cond3A_90 = arith.constant 0 : i32
      %cond3A_91 = arith.cmpi ne, %convert_element_type3A_89, %cond3A_90 : i32
      scf.if %cond3A_91 {
        %ge3A = arith.constant 1 : i32
        %ge3A_143 = arith.cmpi sge, %add3A_84, %ge3A : i32
        %convert_element_type3A_144 = arith.extui %ge3A_143 : i1 to i32
        %cond3A_145 = arith.constant 0 : i32
        %cond3A_146 = arith.cmpi ne, %convert_element_type3A_144, %cond3A_145 : i32
        scf.if %cond3A_146 {
          %sub3A_155 = arith.constant 1 : i32
          %sub3A_156 = arith.subi %add3A_84, %sub3A_155 : i32
          %mul3A_157 = arith.constant 32 : i32
          %mul3A_158 = arith.muli %sub3A_156, %mul3A_157 : i32
          %add3A_159 = arith.addi %mul3A_2, %mul3A_158 : i32
          %dma_wait3A_160 = arith.constant 0 : i32
          %dma_wait3A_161 = tpu.memref_slice %arg6[%add3A_159, %dma_wait3A_160] : memref<51200x1024xf32, #tpu.memory_space<hbm>> -> memref<32x1000xf32, #tpu.memory_space<hbm>>
          %dma_wait3A_162 = arith.constant 0 : i32
          %dma_wait3A_163 = tpu.memref_slice %arg6[%add3A_159, %dma_wait3A_162] : memref<51200x1024xf32, #tpu.memory_space<hbm>> -> memref<32x1000xf32, #tpu.memory_space<hbm>>
          tpu.wait_dma2 semaphore(%arg16 : memref<!tpu.dma_semaphore, #tpu.memory_space<semaphore_mem>>) src(%arg12 : memref<32x1000xf32, #tpu.memory_space<vmem>>) dst(%dma_wait3A_163 : memref<32x1000xf32, #tpu.memory_space<hbm>>)
        } else {
        }
        %add3A_147 = arith.constant 1 : i32
        %add3A_148 = arith.addi %add3A_84, %add3A_147 : i32
        %mul3A_149 = arith.constant 32 : i32
        %mul3A_150 = arith.muli %add3A_148, %mul3A_149 : i32
        %dma_start3A_151 = tpu.memref_slice %arg8[%mul3A_150] : memref<1600xi32, #tpu.memory_space<vmem>> -> memref<32xi32, #tpu.memory_space<vmem>>
        %dma_start3A_152 = arith.constant 0 : i32
        %dma_start3A_153 = arith.constant 0 : i32
        %dma_start3A_154 = tpu.memref_slice %arg2[%dma_start3A_152, %dma_start3A_153] : memref<1000x1000xf32, #tpu.memory_space<hbm>> -> memref<1000x1000xf32, #tpu.memory_space<hbm>>
        tpu.enqueue_indirect_dma source(%dma_start3A_154 : memref<1000x1000xf32, #tpu.memory_space<hbm>>) target(%arg12 : memref<32x1000xf32, #tpu.memory_space<vmem>>) offsets(%dma_start3A_151 : memref<32xi32, #tpu.memory_space<vmem>>) semaphore(%arg14 : memref<!tpu.dma_semaphore, #tpu.memory_space<semaphore_mem>>)
      } else {
      }
      %mul3A_92 = arith.constant 32 : i32
      %mul3A_93 = arith.muli %add3A_84, %mul3A_92 : i32
      %dma_wait3A_94 = tpu.memref_slice %arg8[%mul3A_93] : memref<1600xi32, #tpu.memory_space<vmem>> -> memref<32xi32, #tpu.memory_space<vmem>>
      %dma_wait3A_95 = arith.constant 0 : i32
      %dma_wait3A_96 = arith.constant 0 : i32
      %dma_wait3A_97 = tpu.memref_slice %arg2[%dma_wait3A_95, %dma_wait3A_96] : memref<1000x1000xf32, #tpu.memory_space<hbm>> -> memref<1000x1000xf32, #tpu.memory_space<hbm>>
      tpu.wait_indirect_dma semaphore(%arg15 : memref<!tpu.dma_semaphore, #tpu.memory_space<semaphore_mem>>) src(%dma_wait3A_97 : memref<1000x1000xf32, #tpu.memory_space<hbm>>) dst(%arg13 : memref<32x1000xf32, #tpu.memory_space<vmem>>)
      %mul3A_98 = arith.constant 32 : i32
      %mul3A_99 = arith.muli %add3A_84, %mul3A_98 : i32
      %add3A_100 = arith.constant 0 : i32
      %add3A_101 = arith.addi %mul3A_99, %add3A_100 : i32
      %add3A_102 = arith.constant 0 : i32
      %add3A_103 = vector.broadcast %add3A_102 : i32 to vector<16xi32>
      %add3A_104 = arith.addi %iota3A, %add3A_103 : vector<16xi32>
      %get3A_105 = arith.index_cast %add3A_101 : i32 to index
      %get3A_106 = tpu.vector_load %arg9[%get3A_105] {strides = array<i32>} : memref<1600xi32, #tpu.memory_space<vmem>>, vector<16xi32>,
      %get3A_107 = arith.index_cast %add3A_101 : i32 to index
      %get3A_108 = tpu.vector_load %arg8[%get3A_107] {strides = array<i32>} : memref<1600xi32, #tpu.memory_space<vmem>>, vector<16xi32>,
      %gather3A_109 = tpu.vector_load_idx %arg13[%add3A_104, %get3A_106] : memref<32x1000xf32, #tpu.memory_space<vmem>>[vector<16xi32>, vector<16xi32>], vector<16xf32>,
      %gather3A_110 = tpu.vector_load_idx %arg10[%get3A_108] : memref<1000xf32, #tpu.memory_space<vmem>>[vector<16xi32>], vector<16xf32>,
      %get3A_111 = arith.constant 0 : index
      %get3A_112 = tpu.vector_load %arg11[%get3A_111] {strides = array<i32>} : memref<16xf32, #tpu.memory_space<vmem>>, vector<16xf32>,
      %sub3A_113 = arith.subf %gather3A_110, %gather3A_109 : vector<16xf32>
      %add3A_114 = arith.addf %get3A_112, %sub3A_113 : vector<16xf32>
      %swap3A_115 = arith.constant 0 : index
      %swap3A_116 = tpu.vector_load %arg11[%swap3A_115] {strides = array<i32>} : memref<16xf32, #tpu.memory_space<vmem>>, vector<16xf32>,
      tpu.vector_store %arg11[%swap3A_115], %add3A_114 {strides = array<i32>} : memref<16xf32, #tpu.memory_space<vmem>>, vector<16xf32>,
      %mul3A_117 = arith.constant 32 : i32
      %mul3A_118 = arith.muli %add3A_84, %mul3A_117 : i32
      %add3A_119 = arith.constant 16 : i32
      %add3A_120 = arith.addi %mul3A_118, %add3A_119 : i32
      %add3A_121 = arith.constant 16 : i32
      %add3A_122 = vector.broadcast %add3A_121 : i32 to vector<16xi32>
      %add3A_123 = arith.addi %iota3A, %add3A_122 : vector<16xi32>
      %get3A_124 = arith.index_cast %add3A_120 : i32 to index
      %get3A_125 = tpu.vector_load %arg9[%get3A_124] {strides = array<i32>} : memref<1600xi32, #tpu.memory_space<vmem>>, vector<16xi32>,
      %get3A_126 = arith.index_cast %add3A_120 : i32 to index
      %get3A_127 = tpu.vector_load %arg8[%get3A_126] {strides = array<i32>} : memref<1600xi32, #tpu.memory_space<vmem>>, vector<16xi32>,
      %gather3A_128 = tpu.vector_load_idx %arg13[%add3A_123, %get3A_125] : memref<32x1000xf32, #tpu.memory_space<vmem>>[vector<16xi32>, vector<16xi32>], vector<16xf32>,
      %gather3A_129 = tpu.vector_load_idx %arg10[%get3A_127] : memref<1000xf32, #tpu.memory_space<vmem>>[vector<16xi32>], vector<16xf32>,
      %get3A_130 = arith.constant 0 : index
      %get3A_131 = tpu.vector_load %arg11[%get3A_130] {strides = array<i32>} : memref<16xf32, #tpu.memory_space<vmem>>, vector<16xf32>,
      %sub3A_132 = arith.subf %gather3A_129, %gather3A_128 : vector<16xf32>
      %add3A_133 = arith.addf %get3A_131, %sub3A_132 : vector<16xf32>
      %swap3A_134 = arith.constant 0 : index
      %swap3A_135 = tpu.vector_load %arg11[%swap3A_134] {strides = array<i32>} : memref<16xf32, #tpu.memory_space<vmem>>, vector<16xf32>,
      tpu.vector_store %arg11[%swap3A_134], %add3A_133 {strides = array<i32>} : memref<16xf32, #tpu.memory_space<vmem>>, vector<16xf32>,
      %mul3A_136 = arith.constant 32 : i32
      %mul3A_137 = arith.muli %add3A_84, %mul3A_136 : i32
      %add3A_138 = arith.addi %mul3A_2, %mul3A_137 : i32
      %dma_start3A_139 = arith.constant 0 : i32
      %dma_start3A_140 = tpu.memref_slice %arg6[%add3A_138, %dma_start3A_139] : memref<51200x1024xf32, #tpu.memory_space<hbm>> -> memref<32x1000xf32, #tpu.memory_space<hbm>>
      %dma_start3A_141 = arith.constant 0 : i32
      %dma_start3A_142 = tpu.memref_slice %arg6[%add3A_138, %dma_start3A_141] : memref<51200x1024xf32, #tpu.memory_space<hbm>> -> memref<32x1000xf32, #tpu.memory_space<hbm>>
      tpu.enqueue_dma source(%arg13 : memref<32x1000xf32, #tpu.memory_space<vmem>>) target(%dma_start3A_142 : memref<32x1000xf32, #tpu.memory_space<hbm>>) target_semaphore(%arg17 : memref<!tpu.dma_semaphore, #tpu.memory_space<semaphore_mem>>)
    }
    %scan3A_12 = arith.constant 25 : i32
    %add3A_13 = arith.constant 1536 : i32
    %add3A_14 = arith.addi %mul3A_2, %add3A_13 : i32
    %dma_wait3A = arith.constant 0 : i32
    %dma_wait3A_15 = tpu.memref_slice %arg6[%add3A_14, %dma_wait3A] : memref<51200x1024xf32, #tpu.memory_space<hbm>> -> memref<32x1000xf32, #tpu.memory_space<hbm>>
    %dma_wait3A_16 = arith.constant 0 : i32
    %dma_wait3A_17 = tpu.memref_slice %arg6[%add3A_14, %dma_wait3A_16] : memref<51200x1024xf32, #tpu.memory_space<hbm>> -> memref<32x1000xf32, #tpu.memory_space<hbm>>
    tpu.wait_dma2 semaphore(%arg16 : memref<!tpu.dma_semaphore, #tpu.memory_space<semaphore_mem>>) src(%arg12 : memref<32x1000xf32, #tpu.memory_space<vmem>>) dst(%dma_wait3A_17 : memref<32x1000xf32, #tpu.memory_space<hbm>>)
    %add3A_18 = arith.constant 1568 : i32
    %add3A_19 = arith.addi %mul3A_2, %add3A_18 : i32
    %dma_wait3A_20 = arith.constant 0 : i32
    %dma_wait3A_21 = tpu.memref_slice %arg6[%add3A_19, %dma_wait3A_20] : memref<51200x1024xf32, #tpu.memory_space<hbm>> -> memref<32x1000xf32, #tpu.memory_space<hbm>>
    %dma_wait3A_22 = arith.constant 0 : i32
    %dma_wait3A_23 = tpu.memref_slice %arg6[%add3A_19, %dma_wait3A_22] : memref<51200x1024xf32, #tpu.memory_space<hbm>> -> memref<32x1000xf32, #tpu.memory_space<hbm>>
    tpu.wait_dma2 semaphore(%arg17 : memref<!tpu.dma_semaphore, #tpu.memory_space<semaphore_mem>>) src(%arg13 : memref<32x1000xf32, #tpu.memory_space<vmem>>) dst(%dma_wait3A_23 : memref<32x1000xf32, #tpu.memory_space<hbm>>)
    "tpu.region"() ({
      %run_scoped3A = tpu.sem_alloc : memref<!tpu.dma_semaphore, #tpu.memory_space<semaphore_mem>>
      %dma_start3A_24 = arith.constant 0 : i32
      %dma_start3A_25 = tpu.memref_slice %arg7[%add3A, %dma_start3A_24] : memref<32x16xf32, #tpu.memory_space<hbm>> -> memref<1x16xf32, #tpu.memory_space<hbm>>
      %dma_start3A_26 = tpu.memref_squeeze %dma_start3A_25 : memref<1x16xf32, #tpu.memory_space<hbm>> -> memref<16xf32, #tpu.memory_space<hbm>>
      %dma_start3A_27 = arith.constant 0 : i32
      %dma_start3A_28 = tpu.memref_slice %arg7[%add3A, %dma_start3A_27] : memref<32x16xf32, #tpu.memory_space<hbm>> -> memref<1x16xf32, #tpu.memory_space<hbm>>
      %dma_start3A_29 = tpu.memref_squeeze %dma_start3A_28 : memref<1x16xf32, #tpu.memory_space<hbm>> -> memref<16xf32, #tpu.memory_space<hbm>>
      tpu.enqueue_dma source(%arg11 : memref<16xf32, #tpu.memory_space<vmem>>) target(%dma_start3A_29 : memref<16xf32, #tpu.memory_space<hbm>>) target_semaphore(%run_scoped3A : memref<!tpu.dma_semaphore, #tpu.memory_space<semaphore_mem>>)
      %dma_wait3A_30 = arith.constant 0 : i32
      %dma_wait3A_31 = tpu.memref_slice %arg7[%add3A, %dma_wait3A_30] : memref<32x16xf32, #tpu.memory_space<hbm>> -> memref<1x16xf32, #tpu.memory_space<hbm>>
      %dma_wait3A_32 = tpu.memref_squeeze %dma_wait3A_31 : memref<1x16xf32, #tpu.memory_space<hbm>> -> memref<16xf32, #tpu.memory_space<hbm>>
      %dma_wait3A_33 = arith.constant 0 : i32
      %dma_wait3A_34 = tpu.memref_slice %arg7[%add3A, %dma_wait3A_33] : memref<32x16xf32, #tpu.memory_space<hbm>> -> memref<1x16xf32, #tpu.memory_space<hbm>>
      %dma_wait3A_35 = tpu.memref_squeeze %dma_wait3A_34 : memref<1x16xf32, #tpu.memory_space<hbm>> -> memref<16xf32, #tpu.memory_space<hbm>>
      tpu.wait_dma2 semaphore(%run_scoped3A : memref<!tpu.dma_semaphore, #tpu.memory_space<semaphore_mem>>) src(%arg11 : memref<16xf32, #tpu.memory_space<vmem>>) dst(%dma_wait3A_35 : memref<16xf32, #tpu.memory_space<hbm>>)
      tpu.yield
    }) : () -> ()
    return
  }
}

module attributes {stable_mosaic.version = 14 : i64} {
  func.func @_logz_body(%arg0: memref<1000x1000xf32, #tpu.memory_space<vmem>>, %arg1: memref<1000x1xf32, #tpu.memory_space<vmem>>) attributes {dimension_semantics = [], scalar_prefetch = 0 : i64, scratch_operands = 0 : i64, tpu.core_type = #tpu.core_type<tc>} {
    %get3A = arith.constant 0 : index
    %get3A_0 = arith.constant 0 : index
    %get3A_1 = vector.load %arg0[%get3A, %get3A_0] : memref<1000x1000xf32, #tpu.memory_space<vmem>>, vector<1000x1000xf32>
    %reduce_max3A = arith.constant dense<0xFF800000> : vector<1000xf32>
    %reduce_max3A_2 = vector.multi_reduction <maximumf>, %get3A_1, %reduce_max3A [1] : vector<1000x1000xf32> to vector<1000xf32>
    %broadcast_in_dim3A = vector.shape_cast %reduce_max3A_2 : vector<1000xf32> to vector<1000x1xf32>
    %sub3A = vector.broadcast %broadcast_in_dim3A : vector<1000x1xf32> to vector<1000x1000xf32>
    %sub3A_3 = arith.subf %get3A_1, %sub3A : vector<1000x1000xf32>
    %exp3A = math.exp %sub3A_3 : vector<1000x1000xf32>
    %reduce_sum3A = arith.constant dense<0.000000e+00> : vector<1000xf32>
    %reduce_sum3A_4 = vector.multi_reduction <add>, %exp3A, %reduce_sum3A [1] : vector<1000x1000xf32> to vector<1000xf32>
    %broadcast_in_dim3A_5 = vector.shape_cast %reduce_sum3A_4 : vector<1000xf32> to vector<1000x1xf32>
    %log3A = math.log %broadcast_in_dim3A_5 : vector<1000x1xf32>
    %add3A = arith.addf %log3A, %broadcast_in_dim3A : vector<1000x1xf32>
    %swap3A = arith.constant 0 : index
    %swap3A_6 = arith.constant 0 : index
    %swap3A_7 = vector.load %arg1[%swap3A, %swap3A_6] : memref<1000x1xf32, #tpu.memory_space<vmem>>, vector<1000x1xf32>
    tpu.vector_store %arg1[%swap3A, %swap3A_6], %add3A {strides = array<i32>} : memref<1000x1xf32, #tpu.memory_space<vmem>>, vector<1000x1xf32>,
    return
  }
}

module attributes {stable_mosaic.version = 14 : i64} {
  func.func @_relayout_body(%arg0: i32, %arg1: memref<1048576xf32, #tpu.memory_space<vmem>>, %arg2: memref<125x8x8x128xf32, #tpu.memory_space<vmem>>) attributes {dimension_semantics = [#tpu.dimension_semantics<parallel>], iteration_bounds = array<i64: 50>, scalar_prefetch = 0 : i64, scratch_operands = 0 : i64, tpu.core_type = #tpu.core_type<tc>, window_params = [{transform_indices = @transform_0, window_bounds = array<i64: 1048576>}, {transform_indices = @transform_1, window_bounds = array<i64: 125, 8, 8, 128>}]} {
    %get3A = arith.constant 0 : index
    %get3A_0 = vector.load %arg1[%get3A] : memref<1048576xf32, #tpu.memory_space<vmem>>, vector<1048576xf32>
    %slice3A = vector.extract_strided_slice %get3A_0 {offsets = [0], sizes = [131072], strides = [1]} : vector<1048576xf32> to vector<131072xf32>
    %reshape3A = vector.shape_cast %slice3A : vector<131072xf32> to vector<16x8x8x128xf32>
    %transpose3A = tpu.transpose %reshape3A, [0, 2, 1, 3] : vector<16x8x8x128xf32> -> vector<16x8x8x128xf32>
    %slice3A_1 = vector.extract_strided_slice %transpose3A {offsets = [0, 0, 0, 0], sizes = [16, 1, 8, 128], strides = [1, 1, 1, 1]} : vector<16x8x8x128xf32> to vector<16x1x8x128xf32>
    %squeeze3A = vector.shape_cast %slice3A_1 : vector<16x1x8x128xf32> to vector<16x8x128xf32>
    %reshape3A_2 = vector.shape_cast %squeeze3A : vector<16x8x128xf32> to vector<128x128xf32>
    %transpose3A_3 = tpu.transpose %reshape3A_2, [1, 0] : vector<128x128xf32> -> vector<128x128xf32>
    %reshape3A_4 = vector.shape_cast %transpose3A_3 : vector<128x128xf32> to vector<16x8x128xf32>
    %swap3A = arith.constant 0 : index
    %swap3A_5 = arith.constant 0 : index
    %swap3A_6 = arith.constant 0 : index
    %swap3A_7 = arith.constant 0 : index
    %swap3A_8 = vector.load %arg2[%swap3A, %swap3A_5, %swap3A_6, %swap3A_7] : memref<125x8x8x128xf32, #tpu.memory_space<vmem>>, vector<16x1x8x128xf32>
    %swap3A_9 = vector.shape_cast %swap3A_8 : vector<16x1x8x128xf32> to vector<16x8x128xf32>
    %swap3A_10 = vector.shape_cast %reshape3A_4 : vector<16x8x128xf32> to vector<16x1x8x128xf32>
    tpu.vector_store %arg2[%swap3A, %swap3A_5, %swap3A_6, %swap3A_7], %swap3A_10 {strides = array<i32>} : memref<125x8x8x128xf32, #tpu.memory_space<vmem>>, vector<16x1x8x128xf32>,
    %slice3A_11 = vector.extract_strided_slice %transpose3A {offsets = [0, 1, 0, 0], sizes = [16, 1, 8, 128], strides = [1, 1, 1, 1]} : vector<16x8x8x128xf32> to vector<16x1x8x128xf32>
    %squeeze3A_12 = vector.shape_cast %slice3A_11 : vector<16x1x8x128xf32> to vector<16x8x128xf32>
    %reshape3A_13 = vector.shape_cast %squeeze3A_12 : vector<16x8x128xf32> to vector<128x128xf32>
    %transpose3A_14 = tpu.transpose %reshape3A_13, [1, 0] : vector<128x128xf32> -> vector<128x128xf32>
    %reshape3A_15 = vector.shape_cast %transpose3A_14 : vector<128x128xf32> to vector<16x8x128xf32>
    %swap3A_16 = arith.constant 16 : index
    %swap3A_17 = arith.constant 0 : index
    %swap3A_18 = arith.constant 0 : index
    %swap3A_19 = arith.constant 0 : index
    %swap3A_20 = vector.load %arg2[%swap3A_16, %swap3A_17, %swap3A_18, %swap3A_19] : memref<125x8x8x128xf32, #tpu.memory_space<vmem>>, vector<16x1x8x128xf32>
    %swap3A_21 = vector.shape_cast %swap3A_20 : vector<16x1x8x128xf32> to vector<16x8x128xf32>
    %swap3A_22 = vector.shape_cast %reshape3A_15 : vector<16x8x128xf32> to vector<16x1x8x128xf32>
    tpu.vector_store %arg2[%swap3A_16, %swap3A_17, %swap3A_18, %swap3A_19], %swap3A_22 {strides = array<i32>} : memref<125x8x8x128xf32, #tpu.memory_space<vmem>>, vector<16x1x8x128xf32>,
    %slice3A_23 = vector.extract_strided_slice %transpose3A {offsets = [0, 2, 0, 0], sizes = [16, 1, 8, 128], strides = [1, 1, 1, 1]} : vector<16x8x8x128xf32> to vector<16x1x8x128xf32>
    %squeeze3A_24 = vector.shape_cast %slice3A_23 : vector<16x1x8x128xf32> to vector<16x8x128xf32>
    %reshape3A_25 = vector.shape_cast %squeeze3A_24 : vector<16x8x128xf32> to vector<128x128xf32>
    %transpose3A_26 = tpu.transpose %reshape3A_25, [1, 0] : vector<128x128xf32> -> vector<128x128xf32>
    %reshape3A_27 = vector.shape_cast %transpose3A_26 : vector<128x128xf32> to vector<16x8x128xf32>
    %swap3A_28 = arith.constant 32 : index
    %swap3A_29 = arith.constant 0 : index
    %swap3A_30 = arith.constant 0 : index
    %swap3A_31 = arith.constant 0 : index
    %swap3A_32 = vector.load %arg2[%swap3A_28, %swap3A_29, %swap3A_30, %swap3A_31] : memref<125x8x8x128xf32, #tpu.memory_space<vmem>>, vector<16x1x8x128xf32>
    %swap3A_33 = vector.shape_cast %swap3A_32 : vector<16x1x8x128xf32> to vector<16x8x128xf32>
    %swap3A_34 = vector.shape_cast %reshape3A_27 : vector<16x8x128xf32> to vector<16x1x8x128xf32>
    tpu.vector_store %arg2[%swap3A_28, %swap3A_29, %swap3A_30, %swap3A_31], %swap3A_34 {strides = array<i32>} : memref<125x8x8x128xf32, #tpu.memory_space<vmem>>, vector<16x1x8x128xf32>,
    %slice3A_35 = vector.extract_strided_slice %transpose3A {offsets = [0, 3, 0, 0], sizes = [16, 1, 8, 128], strides = [1, 1, 1, 1]} : vector<16x8x8x128xf32> to vector<16x1x8x128xf32>
    %squeeze3A_36 = vector.shape_cast %slice3A_35 : vector<16x1x8x128xf32> to vector<16x8x128xf32>
    %reshape3A_37 = vector.shape_cast %squeeze3A_36 : vector<16x8x128xf32> to vector<128x128xf32>
    %transpose3A_38 = tpu.transpose %reshape3A_37, [1, 0] : vector<128x128xf32> -> vector<128x128xf32>
    %reshape3A_39 = vector.shape_cast %transpose3A_38 : vector<128x128xf32> to vector<16x8x128xf32>
    %swap3A_40 = arith.constant 48 : index
    %swap3A_41 = arith.constant 0 : index
    %swap3A_42 = arith.constant 0 : index
    %swap3A_43 = arith.constant 0 : index
    %swap3A_44 = vector.load %arg2[%swap3A_40, %swap3A_41, %swap3A_42, %swap3A_43] : memref<125x8x8x128xf32, #tpu.memory_space<vmem>>, vector<16x1x8x128xf32>
    %swap3A_45 = vector.shape_cast %swap3A_44 : vector<16x1x8x128xf32> to vector<16x8x128xf32>
    %swap3A_46 = vector.shape_cast %reshape3A_39 : vector<16x8x128xf32> to vector<16x1x8x128xf32>
    tpu.vector_store %arg2[%swap3A_40, %swap3A_41, %swap3A_42, %swap3A_43], %swap3A_46 {strides = array<i32>} : memref<125x8x8x128xf32, #tpu.memory_space<vmem>>, vector<16x1x8x128xf32>,
    %slice3A_47 = vector.extract_strided_slice %transpose3A {offsets = [0, 4, 0, 0], sizes = [16, 1, 8, 128], strides = [1, 1, 1, 1]} : vector<16x8x8x128xf32> to vector<16x1x8x128xf32>
    %squeeze3A_48 = vector.shape_cast %slice3A_47 : vector<16x1x8x128xf32> to vector<16x8x128xf32>
    %reshape3A_49 = vector.shape_cast %squeeze3A_48 : vector<16x8x128xf32> to vector<128x128xf32>
    %transpose3A_50 = tpu.transpose %reshape3A_49, [1, 0] : vector<128x128xf32> -> vector<128x128xf32>
    %reshape3A_51 = vector.shape_cast %transpose3A_50 : vector<128x128xf32> to vector<16x8x128xf32>
    %swap3A_52 = arith.constant 64 : index
    %swap3A_53 = arith.constant 0 : index
    %swap3A_54 = arith.constant 0 : index
    %swap3A_55 = arith.constant 0 : index
    %swap3A_56 = vector.load %arg2[%swap3A_52, %swap3A_53, %swap3A_54, %swap3A_55] : memref<125x8x8x128xf32, #tpu.memory_space<vmem>>, vector<16x1x8x128xf32>
    %swap3A_57 = vector.shape_cast %swap3A_56 : vector<16x1x8x128xf32> to vector<16x8x128xf32>
    %swap3A_58 = vector.shape_cast %reshape3A_51 : vector<16x8x128xf32> to vector<16x1x8x128xf32>
    tpu.vector_store %arg2[%swap3A_52, %swap3A_53, %swap3A_54, %swap3A_55], %swap3A_58 {strides = array<i32>} : memref<125x8x8x128xf32, #tpu.memory_space<vmem>>, vector<16x1x8x128xf32>,
    %slice3A_59 = vector.extract_strided_slice %transpose3A {offsets = [0, 5, 0, 0], sizes = [16, 1, 8, 128], strides = [1, 1, 1, 1]} : vector<16x8x8x128xf32> to vector<16x1x8x128xf32>
    %squeeze3A_60 = vector.shape_cast %slice3A_59 : vector<16x1x8x128xf32> to vector<16x8x128xf32>
    %reshape3A_61 = vector.shape_cast %squeeze3A_60 : vector<16x8x128xf32> to vector<128x128xf32>
    %transpose3A_62 = tpu.transpose %reshape3A_61, [1, 0] : vector<128x128xf32> -> vector<128x128xf32>
    %reshape3A_63 = vector.shape_cast %transpose3A_62 : vector<128x128xf32> to vector<16x8x128xf32>
    %swap3A_64 = arith.constant 80 : index
    %swap3A_65 = arith.constant 0 : index
    %swap3A_66 = arith.constant 0 : index
    %swap3A_67 = arith.constant 0 : index
    %swap3A_68 = vector.load %arg2[%swap3A_64, %swap3A_65, %swap3A_66, %swap3A_67] : memref<125x8x8x128xf32, #tpu.memory_space<vmem>>, vector<16x1x8x128xf32>
    %swap3A_69 = vector.shape_cast %swap3A_68 : vector<16x1x8x128xf32> to vector<16x8x128xf32>
    %swap3A_70 = vector.shape_cast %reshape3A_63 : vector<16x8x128xf32> to vector<16x1x8x128xf32>
    tpu.vector_store %arg2[%swap3A_64, %swap3A_65, %swap3A_66, %swap3A_67], %swap3A_70 {strides = array<i32>} : memref<125x8x8x128xf32, #tpu.memory_space<vmem>>, vector<16x1x8x128xf32>,
    %slice3A_71 = vector.extract_strided_slice %transpose3A {offsets = [0, 6, 0, 0], sizes = [16, 1, 8, 128], strides = [1, 1, 1, 1]} : vector<16x8x8x128xf32> to vector<16x1x8x128xf32>
    %squeeze3A_72 = vector.shape_cast %slice3A_71 : vector<16x1x8x128xf32> to vector<16x8x128xf32>
    %reshape3A_73 = vector.shape_cast %squeeze3A_72 : vector<16x8x128xf32> to vector<128x128xf32>
    %transpose3A_74 = tpu.transpose %reshape3A_73, [1, 0] : vector<128x128xf32> -> vector<128x128xf32>
    %reshape3A_75 = vector.shape_cast %transpose3A_74 : vector<128x128xf32> to vector<16x8x128xf32>
    %swap3A_76 = arith.constant 96 : index
    %swap3A_77 = arith.constant 0 : index
    %swap3A_78 = arith.constant 0 : index
    %swap3A_79 = arith.constant 0 : index
    %swap3A_80 = vector.load %arg2[%swap3A_76, %swap3A_77, %swap3A_78, %swap3A_79] : memref<125x8x8x128xf32, #tpu.memory_space<vmem>>, vector<16x1x8x128xf32>
    %swap3A_81 = vector.shape_cast %swap3A_80 : vector<16x1x8x128xf32> to vector<16x8x128xf32>
    %swap3A_82 = vector.shape_cast %reshape3A_75 : vector<16x8x128xf32> to vector<16x1x8x128xf32>
    tpu.vector_store %arg2[%swap3A_76, %swap3A_77, %swap3A_78, %swap3A_79], %swap3A_82 {strides = array<i32>} : memref<125x8x8x128xf32, #tpu.memory_space<vmem>>, vector<16x1x8x128xf32>,
    %slice3A_83 = vector.extract_strided_slice %transpose3A {offsets = [0, 7, 0, 0], sizes = [16, 1, 8, 128], strides = [1, 1, 1, 1]} : vector<16x8x8x128xf32> to vector<16x1x8x128xf32>
    %squeeze3A_84 = vector.shape_cast %slice3A_83 : vector<16x1x8x128xf32> to vector<16x8x128xf32>
    %reshape3A_85 = vector.shape_cast %squeeze3A_84 : vector<16x8x128xf32> to vector<128x128xf32>
    %transpose3A_86 = tpu.transpose %reshape3A_85, [1, 0] : vector<128x128xf32> -> vector<128x128xf32>
    %reshape3A_87 = vector.shape_cast %transpose3A_86 : vector<128x128xf32> to vector<16x8x128xf32>
    %slice3A_88 = vector.extract_strided_slice %reshape3A_87 {offsets = [0, 0, 0], sizes = [13, 8, 128], strides = [1, 1, 1]} : vector<16x8x128xf32> to vector<13x8x128xf32>
    %swap3A_89 = arith.constant 112 : index
    %swap3A_90 = arith.constant 0 : index
    %swap3A_91 = arith.constant 0 : index
    %swap3A_92 = arith.constant 0 : index
    %swap3A_93 = vector.load %arg2[%swap3A_89, %swap3A_90, %swap3A_91, %swap3A_92] : memref<125x8x8x128xf32, #tpu.memory_space<vmem>>, vector<13x1x8x128xf32>
    %swap3A_94 = vector.shape_cast %swap3A_93 : vector<13x1x8x128xf32> to vector<13x8x128xf32>
    %swap3A_95 = vector.shape_cast %slice3A_88 : vector<13x8x128xf32> to vector<13x1x8x128xf32>
    tpu.vector_store %arg2[%swap3A_89, %swap3A_90, %swap3A_91, %swap3A_92], %swap3A_95 {strides = array<i32>} : memref<125x8x8x128xf32, #tpu.memory_space<vmem>>, vector<13x1x8x128xf32>,
    %slice3A_96 = vector.extract_strided_slice %get3A_0 {offsets = [131072], sizes = [131072], strides = [1]} : vector<1048576xf32> to vector<131072xf32>
    %reshape3A_97 = vector.shape_cast %slice3A_96 : vector<131072xf32> to vector<16x8x8x128xf32>
    %transpose3A_98 = tpu.transpose %reshape3A_97, [0, 2, 1, 3] : vector<16x8x8x128xf32> -> vector<16x8x8x128xf32>
    %slice3A_99 = vector.extract_strided_slice %transpose3A_98 {offsets = [0, 0, 0, 0], sizes = [16, 1, 8, 128], strides = [1, 1, 1, 1]} : vector<16x8x8x128xf32> to vector<16x1x8x128xf32>
    %squeeze3A_100 = vector.shape_cast %slice3A_99 : vector<16x1x8x128xf32> to vector<16x8x128xf32>
    %reshape3A_101 = vector.shape_cast %squeeze3A_100 : vector<16x8x128xf32> to vector<128x128xf32>
    %transpose3A_102 = tpu.transpose %reshape3A_101, [1, 0] : vector<128x128xf32> -> vector<128x128xf32>
    %reshape3A_103 = vector.shape_cast %transpose3A_102 : vector<128x128xf32> to vector<16x8x128xf32>
    %swap3A_104 = arith.constant 0 : index
    %swap3A_105 = arith.constant 1 : index
    %swap3A_106 = arith.constant 0 : index
    %swap3A_107 = arith.constant 0 : index
    %swap3A_108 = vector.load %arg2[%swap3A_104, %swap3A_105, %swap3A_106, %swap3A_107] : memref<125x8x8x128xf32, #tpu.memory_space<vmem>>, vector<16x1x8x128xf32>
    %swap3A_109 = vector.shape_cast %swap3A_108 : vector<16x1x8x128xf32> to vector<16x8x128xf32>
    %swap3A_110 = vector.shape_cast %reshape3A_103 : vector<16x8x128xf32> to vector<16x1x8x128xf32>
    tpu.vector_store %arg2[%swap3A_104, %swap3A_105, %swap3A_106, %swap3A_107], %swap3A_110 {strides = array<i32>} : memref<125x8x8x128xf32, #tpu.memory_space<vmem>>, vector<16x1x8x128xf32>,
    %slice3A_111 = vector.extract_strided_slice %transpose3A_98 {offsets = [0, 1, 0, 0], sizes = [16, 1, 8, 128], strides = [1, 1, 1, 1]} : vector<16x8x8x128xf32> to vector<16x1x8x128xf32>
    %squeeze3A_112 = vector.shape_cast %slice3A_111 : vector<16x1x8x128xf32> to vector<16x8x128xf32>
    %reshape3A_113 = vector.shape_cast %squeeze3A_112 : vector<16x8x128xf32> to vector<128x128xf32>
    %transpose3A_114 = tpu.transpose %reshape3A_113, [1, 0] : vector<128x128xf32> -> vector<128x128xf32>
    %reshape3A_115 = vector.shape_cast %transpose3A_114 : vector<128x128xf32> to vector<16x8x128xf32>
    %swap3A_116 = arith.constant 16 : index
    %swap3A_117 = arith.constant 1 : index
    %swap3A_118 = arith.constant 0 : index
    %swap3A_119 = arith.constant 0 : index
    %swap3A_120 = vector.load %arg2[%swap3A_116, %swap3A_117, %swap3A_118, %swap3A_119] : memref<125x8x8x128xf32, #tpu.memory_space<vmem>>, vector<16x1x8x128xf32>
    %swap3A_121 = vector.shape_cast %swap3A_120 : vector<16x1x8x128xf32> to vector<16x8x128xf32>
    %swap3A_122 = vector.shape_cast %reshape3A_115 : vector<16x8x128xf32> to vector<16x1x8x128xf32>
    tpu.vector_store %arg2[%swap3A_116, %swap3A_117, %swap3A_118, %swap3A_119], %swap3A_122 {strides = array<i32>} : memref<125x8x8x128xf32, #tpu.memory_space<vmem>>, vector<16x1x8x128xf32>,
    %slice3A_123 = vector.extract_strided_slice %transpose3A_98 {offsets = [0, 2, 0, 0], sizes = [16, 1, 8, 128], strides = [1, 1, 1, 1]} : vector<16x8x8x128xf32> to vector<16x1x8x128xf32>
    %squeeze3A_124 = vector.shape_cast %slice3A_123 : vector<16x1x8x128xf32> to vector<16x8x128xf32>
    %reshape3A_125 = vector.shape_cast %squeeze3A_124 : vector<16x8x128xf32> to vector<128x128xf32>
    %transpose3A_126 = tpu.transpose %reshape3A_125, [1, 0] : vector<128x128xf32> -> vector<128x128xf32>
    %reshape3A_127 = vector.shape_cast %transpose3A_126 : vector<128x128xf32> to vector<16x8x128xf32>
    %swap3A_128 = arith.constant 32 : index
    %swap3A_129 = arith.constant 1 : index
    %swap3A_130 = arith.constant 0 : index
    %swap3A_131 = arith.constant 0 : index
    %swap3A_132 = vector.load %arg2[%swap3A_128, %swap3A_129, %swap3A_130, %swap3A_131] : memref<125x8x8x128xf32, #tpu.memory_space<vmem>>, vector<16x1x8x128xf32>
    %swap3A_133 = vector.shape_cast %swap3A_132 : vector<16x1x8x128xf32> to vector<16x8x128xf32>
    %swap3A_134 = vector.shape_cast %reshape3A_127 : vector<16x8x128xf32> to vector<16x1x8x128xf32>
    tpu.vector_store %arg2[%swap3A_128, %swap3A_129, %swap3A_130, %swap3A_131], %swap3A_134 {strides = array<i32>} : memref<125x8x8x128xf32, #tpu.memory_space<vmem>>, vector<16x1x8x128xf32>,
    %slice3A_135 = vector.extract_strided_slice %transpose3A_98 {offsets = [0, 3, 0, 0], sizes = [16, 1, 8, 128], strides = [1, 1, 1, 1]} : vector<16x8x8x128xf32> to vector<16x1x8x128xf32>
    %squeeze3A_136 = vector.shape_cast %slice3A_135 : vector<16x1x8x128xf32> to vector<16x8x128xf32>
    %reshape3A_137 = vector.shape_cast %squeeze3A_136 : vector<16x8x128xf32> to vector<128x128xf32>
    %transpose3A_138 = tpu.transpose %reshape3A_137, [1, 0] : vector<128x128xf32> -> vector<128x128xf32>
    %reshape3A_139 = vector.shape_cast %transpose3A_138 : vector<128x128xf32> to vector<16x8x128xf32>
    %swap3A_140 = arith.constant 48 : index
    %swap3A_141 = arith.constant 1 : index
    %swap3A_142 = arith.constant 0 : index
    %swap3A_143 = arith.constant 0 : index
    %swap3A_144 = vector.load %arg2[%swap3A_140, %swap3A_141, %swap3A_142, %swap3A_143] : memref<125x8x8x128xf32, #tpu.memory_space<vmem>>, vector<16x1x8x128xf32>
    %swap3A_145 = vector.shape_cast %swap3A_144 : vector<16x1x8x128xf32> to vector<16x8x128xf32>
    %swap3A_146 = vector.shape_cast %reshape3A_139 : vector<16x8x128xf32> to vector<16x1x8x128xf32>
    tpu.vector_store %arg2[%swap3A_140, %swap3A_141, %swap3A_142, %swap3A_143], %swap3A_146 {strides = array<i32>} : memref<125x8x8x128xf32, #tpu.memory_space<vmem>>, vector<16x1x8x128xf32>,
    %slice3A_147 = vector.extract_strided_slice %transpose3A_98 {offsets = [0, 4, 0, 0], sizes = [16, 1, 8, 128], strides = [1, 1, 1, 1]} : vector<16x8x8x128xf32> to vector<16x1x8x128xf32>
    %squeeze3A_148 = vector.shape_cast %slice3A_147 : vector<16x1x8x128xf32> to vector<16x8x128xf32>
    %reshape3A_149 = vector.shape_cast %squeeze3A_148 : vector<16x8x128xf32> to vector<128x128xf32>
    %transpose3A_150 = tpu.transpose %reshape3A_149, [1, 0] : vector<128x128xf32> -> vector<128x128xf32>
    %reshape3A_151 = vector.shape_cast %transpose3A_150 : vector<128x128xf32> to vector<16x8x128xf32>
    %swap3A_152 = arith.constant 64 : index
    %swap3A_153 = arith.constant 1 : index
    %swap3A_154 = arith.constant 0 : index
    %swap3A_155 = arith.constant 0 : index
    %swap3A_156 = vector.load %arg2[%swap3A_152, %swap3A_153, %swap3A_154, %swap3A_155] : memref<125x8x8x128xf32, #tpu.memory_space<vmem>>, vector<16x1x8x128xf32>
    %swap3A_157 = vector.shape_cast %swap3A_156 : vector<16x1x8x128xf32> to vector<16x8x128xf32>
    %swap3A_158 = vector.shape_cast %reshape3A_151 : vector<16x8x128xf32> to vector<16x1x8x128xf32>
    tpu.vector_store %arg2[%swap3A_152, %swap3A_153, %swap3A_154, %swap3A_155], %swap3A_158 {strides = array<i32>} : memref<125x8x8x128xf32, #tpu.memory_space<vmem>>, vector<16x1x8x128xf32>,
    %slice3A_159 = vector.extract_strided_slice %transpose3A_98 {offsets = [0, 5, 0, 0], sizes = [16, 1, 8, 128], strides = [1, 1, 1, 1]} : vector<16x8x8x128xf32> to vector<16x1x8x128xf32>
    %squeeze3A_160 = vector.shape_cast %slice3A_159 : vector<16x1x8x128xf32> to vector<16x8x128xf32>
    %reshape3A_161 = vector.shape_cast %squeeze3A_160 : vector<16x8x128xf32> to vector<128x128xf32>
    %transpose3A_162 = tpu.transpose %reshape3A_161, [1, 0] : vector<128x128xf32> -> vector<128x128xf32>
    %reshape3A_163 = vector.shape_cast %transpose3A_162 : vector<128x128xf32> to vector<16x8x128xf32>
    %swap3A_164 = arith.constant 80 : index
    %swap3A_165 = arith.constant 1 : index
    %swap3A_166 = arith.constant 0 : index
    %swap3A_167 = arith.constant 0 : index
    %swap3A_168 = vector.load %arg2[%swap3A_164, %swap3A_165, %swap3A_166, %swap3A_167] : memref<125x8x8x128xf32, #tpu.memory_space<vmem>>, vector<16x1x8x128xf32>
    %swap3A_169 = vector.shape_cast %swap3A_168 : vector<16x1x8x128xf32> to vector<16x8x128xf32>
    %swap3A_170 = vector.shape_cast %reshape3A_163 : vector<16x8x128xf32> to vector<16x1x8x128xf32>
    tpu.vector_store %arg2[%swap3A_164, %swap3A_165, %swap3A_166, %swap3A_167], %swap3A_170 {strides = array<i32>} : memref<125x8x8x128xf32, #tpu.memory_space<vmem>>, vector<16x1x8x128xf32>,
    %slice3A_171 = vector.extract_strided_slice %transpose3A_98 {offsets = [0, 6, 0, 0], sizes = [16, 1, 8, 128], strides = [1, 1, 1, 1]} : vector<16x8x8x128xf32> to vector<16x1x8x128xf32>
    %squeeze3A_172 = vector.shape_cast %slice3A_171 : vector<16x1x8x128xf32> to vector<16x8x128xf32>
    %reshape3A_173 = vector.shape_cast %squeeze3A_172 : vector<16x8x128xf32> to vector<128x128xf32>
    %transpose3A_174 = tpu.transpose %reshape3A_173, [1, 0] : vector<128x128xf32> -> vector<128x128xf32>
    %reshape3A_175 = vector.shape_cast %transpose3A_174 : vector<128x128xf32> to vector<16x8x128xf32>
    %swap3A_176 = arith.constant 96 : index
    %swap3A_177 = arith.constant 1 : index
    %swap3A_178 = arith.constant 0 : index
    %swap3A_179 = arith.constant 0 : index
    %swap3A_180 = vector.load %arg2[%swap3A_176, %swap3A_177, %swap3A_178, %swap3A_179] : memref<125x8x8x128xf32, #tpu.memory_space<vmem>>, vector<16x1x8x128xf32>
    %swap3A_181 = vector.shape_cast %swap3A_180 : vector<16x1x8x128xf32> to vector<16x8x128xf32>
    %swap3A_182 = vector.shape_cast %reshape3A_175 : vector<16x8x128xf32> to vector<16x1x8x128xf32>
    tpu.vector_store %arg2[%swap3A_176, %swap3A_177, %swap3A_178, %swap3A_179], %swap3A_182 {strides = array<i32>} : memref<125x8x8x128xf32, #tpu.memory_space<vmem>>, vector<16x1x8x128xf32>,
    %slice3A_183 = vector.extract_strided_slice %transpose3A_98 {offsets = [0, 7, 0, 0], sizes = [16, 1, 8, 128], strides = [1, 1, 1, 1]} : vector<16x8x8x128xf32> to vector<16x1x8x128xf32>
    %squeeze3A_184 = vector.shape_cast %slice3A_183 : vector<16x1x8x128xf32> to vector<16x8x128xf32>
    %reshape3A_185 = vector.shape_cast %squeeze3A_184 : vector<16x8x128xf32> to vector<128x128xf32>
    %transpose3A_186 = tpu.transpose %reshape3A_185, [1, 0] : vector<128x128xf32> -> vector<128x128xf32>
    %reshape3A_187 = vector.shape_cast %transpose3A_186 : vector<128x128xf32> to vector<16x8x128xf32>
    %slice3A_188 = vector.extract_strided_slice %reshape3A_187 {offsets = [0, 0, 0], sizes = [13, 8, 128], strides = [1, 1, 1]} : vector<16x8x128xf32> to vector<13x8x128xf32>
    %swap3A_189 = arith.constant 112 : index
    %swap3A_190 = arith.constant 1 : index
    %swap3A_191 = arith.constant 0 : index
    %swap3A_192 = arith.constant 0 : index
    %swap3A_193 = vector.load %arg2[%swap3A_189, %swap3A_190, %swap3A_191, %swap3A_192] : memref<125x8x8x128xf32, #tpu.memory_space<vmem>>, vector<13x1x8x128xf32>
    %swap3A_194 = vector.shape_cast %swap3A_193 : vector<13x1x8x128xf32> to vector<13x8x128xf32>
    %swap3A_195 = vector.shape_cast %slice3A_188 : vector<13x8x128xf32> to vector<13x1x8x128xf32>
    tpu.vector_store %arg2[%swap3A_189, %swap3A_190, %swap3A_191, %swap3A_192], %swap3A_195 {strides = array<i32>} : memref<125x8x8x128xf32, #tpu.memory_space<vmem>>, vector<13x1x8x128xf32>,
    %slice3A_196 = vector.extract_strided_slice %get3A_0 {offsets = [262144], sizes = [131072], strides = [1]} : vector<1048576xf32> to vector<131072xf32>
    %reshape3A_197 = vector.shape_cast %slice3A_196 : vector<131072xf32> to vector<16x8x8x128xf32>
    %transpose3A_198 = tpu.transpose %reshape3A_197, [0, 2, 1, 3] : vector<16x8x8x128xf32> -> vector<16x8x8x128xf32>
    %slice3A_199 = vector.extract_strided_slice %transpose3A_198 {offsets = [0, 0, 0, 0], sizes = [16, 1, 8, 128], strides = [1, 1, 1, 1]} : vector<16x8x8x128xf32> to vector<16x1x8x128xf32>
    %squeeze3A_200 = vector.shape_cast %slice3A_199 : vector<16x1x8x128xf32> to vector<16x8x128xf32>
    %reshape3A_201 = vector.shape_cast %squeeze3A_200 : vector<16x8x128xf32> to vector<128x128xf32>
    %transpose3A_202 = tpu.transpose %reshape3A_201, [1, 0] : vector<128x128xf32> -> vector<128x128xf32>
    %reshape3A_203 = vector.shape_cast %transpose3A_202 : vector<128x128xf32> to vector<16x8x128xf32>
    %swap3A_204 = arith.constant 0 : index
    %swap3A_205 = arith.constant 2 : index
    %swap3A_206 = arith.constant 0 : index
    %swap3A_207 = arith.constant 0 : index
    %swap3A_208 = vector.load %arg2[%swap3A_204, %swap3A_205, %swap3A_206, %swap3A_207] : memref<125x8x8x128xf32, #tpu.memory_space<vmem>>, vector<16x1x8x128xf32>
    %swap3A_209 = vector.shape_cast %swap3A_208 : vector<16x1x8x128xf32> to vector<16x8x128xf32>
    %swap3A_210 = vector.shape_cast %reshape3A_203 : vector<16x8x128xf32> to vector<16x1x8x128xf32>
    tpu.vector_store %arg2[%swap3A_204, %swap3A_205, %swap3A_206, %swap3A_207], %swap3A_210 {strides = array<i32>} : memref<125x8x8x128xf32, #tpu.memory_space<vmem>>, vector<16x1x8x128xf32>,
    %slice3A_211 = vector.extract_strided_slice %transpose3A_198 {offsets = [0, 1, 0, 0], sizes = [16, 1, 8, 128], strides = [1, 1, 1, 1]} : vector<16x8x8x128xf32> to vector<16x1x8x128xf32>
    %squeeze3A_212 = vector.shape_cast %slice3A_211 : vector<16x1x8x128xf32> to vector<16x8x128xf32>
    %reshape3A_213 = vector.shape_cast %squeeze3A_212 : vector<16x8x128xf32> to vector<128x128xf32>
    %transpose3A_214 = tpu.transpose %reshape3A_213, [1, 0] : vector<128x128xf32> -> vector<128x128xf32>
    %reshape3A_215 = vector.shape_cast %transpose3A_214 : vector<128x128xf32> to vector<16x8x128xf32>
    %swap3A_216 = arith.constant 16 : index
    %swap3A_217 = arith.constant 2 : index
    %swap3A_218 = arith.constant 0 : index
    %swap3A_219 = arith.constant 0 : index
    %swap3A_220 = vector.load %arg2[%swap3A_216, %swap3A_217, %swap3A_218, %swap3A_219] : memref<125x8x8x128xf32, #tpu.memory_space<vmem>>, vector<16x1x8x128xf32>
    %swap3A_221 = vector.shape_cast %swap3A_220 : vector<16x1x8x128xf32> to vector<16x8x128xf32>
    %swap3A_222 = vector.shape_cast %reshape3A_215 : vector<16x8x128xf32> to vector<16x1x8x128xf32>
    tpu.vector_store %arg2[%swap3A_216, %swap3A_217, %swap3A_218, %swap3A_219], %swap3A_222 {strides = array<i32>} : memref<125x8x8x128xf32, #tpu.memory_space<vmem>>, vector<16x1x8x128xf32>,
    %slice3A_223 = vector.extract_strided_slice %transpose3A_198 {offsets = [0, 2, 0, 0], sizes = [16, 1, 8, 128], strides = [1, 1, 1, 1]} : vector<16x8x8x128xf32> to vector<16x1x8x128xf32>
    %squeeze3A_224 = vector.shape_cast %slice3A_223 : vector<16x1x8x128xf32> to vector<16x8x128xf32>
    %reshape3A_225 = vector.shape_cast %squeeze3A_224 : vector<16x8x128xf32> to vector<128x128xf32>
    %transpose3A_226 = tpu.transpose %reshape3A_225, [1, 0] : vector<128x128xf32> -> vector<128x128xf32>
    %reshape3A_227 = vector.shape_cast %transpose3A_226 : vector<128x128xf32> to vector<16x8x128xf32>
    %swap3A_228 = arith.constant 32 : index
    %swap3A_229 = arith.constant 2 : index
    %swap3A_230 = arith.constant 0 : index
    %swap3A_231 = arith.constant 0 : index
    %swap3A_232 = vector.load %arg2[%swap3A_228, %swap3A_229, %swap3A_230, %swap3A_231] : memref<125x8x8x128xf32, #tpu.memory_space<vmem>>, vector<16x1x8x128xf32>
    %swap3A_233 = vector.shape_cast %swap3A_232 : vector<16x1x8x128xf32> to vector<16x8x128xf32>
    %swap3A_234 = vector.shape_cast %reshape3A_227 : vector<16x8x128xf32> to vector<16x1x8x128xf32>
    tpu.vector_store %arg2[%swap3A_228, %swap3A_229, %swap3A_230, %swap3A_231], %swap3A_234 {strides = array<i32>} : memref<125x8x8x128xf32, #tpu.memory_space<vmem>>, vector<16x1x8x128xf32>,
    %slice3A_235 = vector.extract_strided_slice %transpose3A_198 {offsets = [0, 3, 0, 0], sizes = [16, 1, 8, 128], strides = [1, 1, 1, 1]} : vector<16x8x8x128xf32> to vector<16x1x8x128xf32>
    %squeeze3A_236 = vector.shape_cast %slice3A_235 : vector<16x1x8x128xf32> to vector<16x8x128xf32>
    %reshape3A_237 = vector.shape_cast %squeeze3A_236 : vector<16x8x128xf32> to vector<128x128xf32>
    %transpose3A_238 = tpu.transpose %reshape3A_237, [1, 0] : vector<128x128xf32> -> vector<128x128xf32>
    %reshape3A_239 = vector.shape_cast %transpose3A_238 : vector<128x128xf32> to vector<16x8x128xf32>
    %swap3A_240 = arith.constant 48 : index
    %swap3A_241 = arith.constant 2 : index
    %swap3A_242 = arith.constant 0 : index
    %swap3A_243 = arith.constant 0 : index
    %swap3A_244 = vector.load %arg2[%swap3A_240, %swap3A_241, %swap3A_242, %swap3A_243] : memref<125x8x8x128xf32, #tpu.memory_space<vmem>>, vector<16x1x8x128xf32>
    %swap3A_245 = vector.shape_cast %swap3A_244 : vector<16x1x8x128xf32> to vector<16x8x128xf32>
    %swap3A_246 = vector.shape_cast %reshape3A_239 : vector<16x8x128xf32> to vector<16x1x8x128xf32>
    tpu.vector_store %arg2[%swap3A_240, %swap3A_241, %swap3A_242, %swap3A_243], %swap3A_246 {strides = array<i32>} : memref<125x8x8x128xf32, #tpu.memory_space<vmem>>, vector<16x1x8x128xf32>,
    %slice3A_247 = vector.extract_strided_slice %transpose3A_198 {offsets = [0, 4, 0, 0], sizes = [16, 1, 8, 128], strides = [1, 1, 1, 1]} : vector<16x8x8x128xf32> to vector<16x1x8x128xf32>
    %squeeze3A_248 = vector.shape_cast %slice3A_247 : vector<16x1x8x128xf32> to vector<16x8x128xf32>
    %reshape3A_249 = vector.shape_cast %squeeze3A_248 : vector<16x8x128xf32> to vector<128x128xf32>
    %transpose3A_250 = tpu.transpose %reshape3A_249, [1, 0] : vector<128x128xf32> -> vector<128x128xf32>
    %reshape3A_251 = vector.shape_cast %transpose3A_250 : vector<128x128xf32> to vector<16x8x128xf32>
    %swap3A_252 = arith.constant 64 : index
    %swap3A_253 = arith.constant 2 : index
    %swap3A_254 = arith.constant 0 : index
    %swap3A_255 = arith.constant 0 : index
    %swap3A_256 = vector.load %arg2[%swap3A_252, %swap3A_253, %swap3A_254, %swap3A_255] : memref<125x8x8x128xf32, #tpu.memory_space<vmem>>, vector<16x1x8x128xf32>
    %swap3A_257 = vector.shape_cast %swap3A_256 : vector<16x1x8x128xf32> to vector<16x8x128xf32>
    %swap3A_258 = vector.shape_cast %reshape3A_251 : vector<16x8x128xf32> to vector<16x1x8x128xf32>
    tpu.vector_store %arg2[%swap3A_252, %swap3A_253, %swap3A_254, %swap3A_255], %swap3A_258 {strides = array<i32>} : memref<125x8x8x128xf32, #tpu.memory_space<vmem>>, vector<16x1x8x128xf32>,
    %slice3A_259 = vector.extract_strided_slice %transpose3A_198 {offsets = [0, 5, 0, 0], sizes = [16, 1, 8, 128], strides = [1, 1, 1, 1]} : vector<16x8x8x128xf32> to vector<16x1x8x128xf32>
    %squeeze3A_260 = vector.shape_cast %slice3A_259 : vector<16x1x8x128xf32> to vector<16x8x128xf32>
    %reshape3A_261 = vector.shape_cast %squeeze3A_260 : vector<16x8x128xf32> to vector<128x128xf32>
    %transpose3A_262 = tpu.transpose %reshape3A_261, [1, 0] : vector<128x128xf32> -> vector<128x128xf32>
    %reshape3A_263 = vector.shape_cast %transpose3A_262 : vector<128x128xf32> to vector<16x8x128xf32>
    %swap3A_264 = arith.constant 80 : index
    %swap3A_265 = arith.constant 2 : index
    %swap3A_266 = arith.constant 0 : index
    %swap3A_267 = arith.constant 0 : index
    %swap3A_268 = vector.load %arg2[%swap3A_264, %swap3A_265, %swap3A_266, %swap3A_267] : memref<125x8x8x128xf32, #tpu.memory_space<vmem>>, vector<16x1x8x128xf32>
    %swap3A_269 = vector.shape_cast %swap3A_268 : vector<16x1x8x128xf32> to vector<16x8x128xf32>
    %swap3A_270 = vector.shape_cast %reshape3A_263 : vector<16x8x128xf32> to vector<16x1x8x128xf32>
    tpu.vector_store %arg2[%swap3A_264, %swap3A_265, %swap3A_266, %swap3A_267], %swap3A_270 {strides = array<i32>} : memref<125x8x8x128xf32, #tpu.memory_space<vmem>>, vector<16x1x8x128xf32>,
    %slice3A_271 = vector.extract_strided_slice %transpose3A_198 {offsets = [0, 6, 0, 0], sizes = [16, 1, 8, 128], strides = [1, 1, 1, 1]} : vector<16x8x8x128xf32> to vector<16x1x8x128xf32>
    %squeeze3A_272 = vector.shape_cast %slice3A_271 : vector<16x1x8x128xf32> to vector<16x8x128xf32>
    %reshape3A_273 = vector.shape_cast %squeeze3A_272 : vector<16x8x128xf32> to vector<128x128xf32>
    %transpose3A_274 = tpu.transpose %reshape3A_273, [1, 0] : vector<128x128xf32> -> vector<128x128xf32>
    %reshape3A_275 = vector.shape_cast %transpose3A_274 : vector<128x128xf32> to vector<16x8x128xf32>
    %swap3A_276 = arith.constant 96 : index
    %swap3A_277 = arith.constant 2 : index
    %swap3A_278 = arith.constant 0 : index
    %swap3A_279 = arith.constant 0 : index
    %swap3A_280 = vector.load %arg2[%swap3A_276, %swap3A_277, %swap3A_278, %swap3A_279] : memref<125x8x8x128xf32, #tpu.memory_space<vmem>>, vector<16x1x8x128xf32>
    %swap3A_281 = vector.shape_cast %swap3A_280 : vector<16x1x8x128xf32> to vector<16x8x128xf32>
    %swap3A_282 = vector.shape_cast %reshape3A_275 : vector<16x8x128xf32> to vector<16x1x8x128xf32>
    tpu.vector_store %arg2[%swap3A_276, %swap3A_277, %swap3A_278, %swap3A_279], %swap3A_282 {strides = array<i32>} : memref<125x8x8x128xf32, #tpu.memory_space<vmem>>, vector<16x1x8x128xf32>,
    %slice3A_283 = vector.extract_strided_slice %transpose3A_198 {offsets = [0, 7, 0, 0], sizes = [16, 1, 8, 128], strides = [1, 1, 1, 1]} : vector<16x8x8x128xf32> to vector<16x1x8x128xf32>
    %squeeze3A_284 = vector.shape_cast %slice3A_283 : vector<16x1x8x128xf32> to vector<16x8x128xf32>
    %reshape3A_285 = vector.shape_cast %squeeze3A_284 : vector<16x8x128xf32> to vector<128x128xf32>
    %transpose3A_286 = tpu.transpose %reshape3A_285, [1, 0] : vector<128x128xf32> -> vector<128x128xf32>
    %reshape3A_287 = vector.shape_cast %transpose3A_286 : vector<128x128xf32> to vector<16x8x128xf32>
    %slice3A_288 = vector.extract_strided_slice %reshape3A_287 {offsets = [0, 0, 0], sizes = [13, 8, 128], strides = [1, 1, 1]} : vector<16x8x128xf32> to vector<13x8x128xf32>
    %swap3A_289 = arith.constant 112 : index
    %swap3A_290 = arith.constant 2 : index
    %swap3A_291 = arith.constant 0 : index
    %swap3A_292 = arith.constant 0 : index
    %swap3A_293 = vector.load %arg2[%swap3A_289, %swap3A_290, %swap3A_291, %swap3A_292] : memref<125x8x8x128xf32, #tpu.memory_space<vmem>>, vector<13x1x8x128xf32>
    %swap3A_294 = vector.shape_cast %swap3A_293 : vector<13x1x8x128xf32> to vector<13x8x128xf32>
    %swap3A_295 = vector.shape_cast %slice3A_288 : vector<13x8x128xf32> to vector<13x1x8x128xf32>
    tpu.vector_store %arg2[%swap3A_289, %swap3A_290, %swap3A_291, %swap3A_292], %swap3A_295 {strides = array<i32>} : memref<125x8x8x128xf32, #tpu.memory_space<vmem>>, vector<13x1x8x128xf32>,
    %slice3A_296 = vector.extract_strided_slice %get3A_0 {offsets = [393216], sizes = [131072], strides = [1]} : vector<1048576xf32> to vector<131072xf32>
    %reshape3A_297 = vector.shape_cast %slice3A_296 : vector<131072xf32> to vector<16x8x8x128xf32>
    %transpose3A_298 = tpu.transpose %reshape3A_297, [0, 2, 1, 3] : vector<16x8x8x128xf32> -> vector<16x8x8x128xf32>
    %slice3A_299 = vector.extract_strided_slice %transpose3A_298 {offsets = [0, 0, 0, 0], sizes = [16, 1, 8, 128], strides = [1, 1, 1, 1]} : vector<16x8x8x128xf32> to vector<16x1x8x128xf32>
    %squeeze3A_300 = vector.shape_cast %slice3A_299 : vector<16x1x8x128xf32> to vector<16x8x128xf32>
    %reshape3A_301 = vector.shape_cast %squeeze3A_300 : vector<16x8x128xf32> to vector<128x128xf32>
    %transpose3A_302 = tpu.transpose %reshape3A_301, [1, 0] : vector<128x128xf32> -> vector<128x128xf32>
    %reshape3A_303 = vector.shape_cast %transpose3A_302 : vector<128x128xf32> to vector<16x8x128xf32>
    %swap3A_304 = arith.constant 0 : index
    %swap3A_305 = arith.constant 3 : index
    %swap3A_306 = arith.constant 0 : index
    %swap3A_307 = arith.constant 0 : index
    %swap3A_308 = vector.load %arg2[%swap3A_304, %swap3A_305, %swap3A_306, %swap3A_307] : memref<125x8x8x128xf32, #tpu.memory_space<vmem>>, vector<16x1x8x128xf32>
    %swap3A_309 = vector.shape_cast %swap3A_308 : vector<16x1x8x128xf32> to vector<16x8x128xf32>
    %swap3A_310 = vector.shape_cast %reshape3A_303 : vector<16x8x128xf32> to vector<16x1x8x128xf32>
    tpu.vector_store %arg2[%swap3A_304, %swap3A_305, %swap3A_306, %swap3A_307], %swap3A_310 {strides = array<i32>} : memref<125x8x8x128xf32, #tpu.memory_space<vmem>>, vector<16x1x8x128xf32>,
    %slice3A_311 = vector.extract_strided_slice %transpose3A_298 {offsets = [0, 1, 0, 0], sizes = [16, 1, 8, 128], strides = [1, 1, 1, 1]} : vector<16x8x8x128xf32> to vector<16x1x8x128xf32>
    %squeeze3A_312 = vector.shape_cast %slice3A_311 : vector<16x1x8x128xf32> to vector<16x8x128xf32>
    %reshape3A_313 = vector.shape_cast %squeeze3A_312 : vector<16x8x128xf32> to vector<128x128xf32>
    %transpose3A_314 = tpu.transpose %reshape3A_313, [1, 0] : vector<128x128xf32> -> vector<128x128xf32>
    %reshape3A_315 = vector.shape_cast %transpose3A_314 : vector<128x128xf32> to vector<16x8x128xf32>
    %swap3A_316 = arith.constant 16 : index
    %swap3A_317 = arith.constant 3 : index
    %swap3A_318 = arith.constant 0 : index
    %swap3A_319 = arith.constant 0 : index
    %swap3A_320 = vector.load %arg2[%swap3A_316, %swap3A_317, %swap3A_318, %swap3A_319] : memref<125x8x8x128xf32, #tpu.memory_space<vmem>>, vector<16x1x8x128xf32>
    %swap3A_321 = vector.shape_cast %swap3A_320 : vector<16x1x8x128xf32> to vector<16x8x128xf32>
    %swap3A_322 = vector.shape_cast %reshape3A_315 : vector<16x8x128xf32> to vector<16x1x8x128xf32>
    tpu.vector_store %arg2[%swap3A_316, %swap3A_317, %swap3A_318, %swap3A_319], %swap3A_322 {strides = array<i32>} : memref<125x8x8x128xf32, #tpu.memory_space<vmem>>, vector<16x1x8x128xf32>,
    %slice3A_323 = vector.extract_strided_slice %transpose3A_298 {offsets = [0, 2, 0, 0], sizes = [16, 1, 8, 128], strides = [1, 1, 1, 1]} : vector<16x8x8x128xf32> to vector<16x1x8x128xf32>
    %squeeze3A_324 = vector.shape_cast %slice3A_323 : vector<16x1x8x128xf32> to vector<16x8x128xf32>
    %reshape3A_325 = vector.shape_cast %squeeze3A_324 : vector<16x8x128xf32> to vector<128x128xf32>
    %transpose3A_326 = tpu.transpose %reshape3A_325, [1, 0] : vector<128x128xf32> -> vector<128x128xf32>
    %reshape3A_327 = vector.shape_cast %transpose3A_326 : vector<128x128xf32> to vector<16x8x128xf32>
    %swap3A_328 = arith.constant 32 : index
    %swap3A_329 = arith.constant 3 : index
    %swap3A_330 = arith.constant 0 : index
    %swap3A_331 = arith.constant 0 : index
    %swap3A_332 = vector.load %arg2[%swap3A_328, %swap3A_329, %swap3A_330, %swap3A_331] : memref<125x8x8x128xf32, #tpu.memory_space<vmem>>, vector<16x1x8x128xf32>
    %swap3A_333 = vector.shape_cast %swap3A_332 : vector<16x1x8x128xf32> to vector<16x8x128xf32>
    %swap3A_334 = vector.shape_cast %reshape3A_327 : vector<16x8x128xf32> to vector<16x1x8x128xf32>
    tpu.vector_store %arg2[%swap3A_328, %swap3A_329, %swap3A_330, %swap3A_331], %swap3A_334 {strides = array<i32>} : memref<125x8x8x128xf32, #tpu.memory_space<vmem>>, vector<16x1x8x128xf32>,
    %slice3A_335 = vector.extract_strided_slice %transpose3A_298 {offsets = [0, 3, 0, 0], sizes = [16, 1, 8, 128], strides = [1, 1, 1, 1]} : vector<16x8x8x128xf32> to vector<16x1x8x128xf32>
    %squeeze3A_336 = vector.shape_cast %slice3A_335 : vector<16x1x8x128xf32> to vector<16x8x128xf32>
    %reshape3A_337 = vector.shape_cast %squeeze3A_336 : vector<16x8x128xf32> to vector<128x128xf32>
    %transpose3A_338 = tpu.transpose %reshape3A_337, [1, 0] : vector<128x128xf32> -> vector<128x128xf32>
    %reshape3A_339 = vector.shape_cast %transpose3A_338 : vector<128x128xf32> to vector<16x8x128xf32>
    %swap3A_340 = arith.constant 48 : index
    %swap3A_341 = arith.constant 3 : index
    %swap3A_342 = arith.constant 0 : index
    %swap3A_343 = arith.constant 0 : index
    %swap3A_344 = vector.load %arg2[%swap3A_340, %swap3A_341, %swap3A_342, %swap3A_343] : memref<125x8x8x128xf32, #tpu.memory_space<vmem>>, vector<16x1x8x128xf32>
    %swap3A_345 = vector.shape_cast %swap3A_344 : vector<16x1x8x128xf32> to vector<16x8x128xf32>
    %swap3A_346 = vector.shape_cast %reshape3A_339 : vector<16x8x128xf32> to vector<16x1x8x128xf32>
    tpu.vector_store %arg2[%swap3A_340, %swap3A_341, %swap3A_342, %swap3A_343], %swap3A_346 {strides = array<i32>} : memref<125x8x8x128xf32, #tpu.memory_space<vmem>>, vector<16x1x8x128xf32>,
    %slice3A_347 = vector.extract_strided_slice %transpose3A_298 {offsets = [0, 4, 0, 0], sizes = [16, 1, 8, 128], strides = [1, 1, 1, 1]} : vector<16x8x8x128xf32> to vector<16x1x8x128xf32>
    %squeeze3A_348 = vector.shape_cast %slice3A_347 : vector<16x1x8x128xf32> to vector<16x8x128xf32>
    %reshape3A_349 = vector.shape_cast %squeeze3A_348 : vector<16x8x128xf32> to vector<128x128xf32>
    %transpose3A_350 = tpu.transpose %reshape3A_349, [1, 0] : vector<128x128xf32> -> vector<128x128xf32>
    %reshape3A_351 = vector.shape_cast %transpose3A_350 : vector<128x128xf32> to vector<16x8x128xf32>
    %swap3A_352 = arith.constant 64 : index
    %swap3A_353 = arith.constant 3 : index
    %swap3A_354 = arith.constant 0 : index
    %swap3A_355 = arith.constant 0 : index
    %swap3A_356 = vector.load %arg2[%swap3A_352, %swap3A_353, %swap3A_354, %swap3A_355] : memref<125x8x8x128xf32, #tpu.memory_space<vmem>>, vector<16x1x8x128xf32>
    %swap3A_357 = vector.shape_cast %swap3A_356 : vector<16x1x8x128xf32> to vector<16x8x128xf32>
    %swap3A_358 = vector.shape_cast %reshape3A_351 : vector<16x8x128xf32> to vector<16x1x8x128xf32>
    tpu.vector_store %arg2[%swap3A_352, %swap3A_353, %swap3A_354, %swap3A_355], %swap3A_358 {strides = array<i32>} : memref<125x8x8x128xf32, #tpu.memory_space<vmem>>, vector<16x1x8x128xf32>,
    %slice3A_359 = vector.extract_strided_slice %transpose3A_298 {offsets = [0, 5, 0, 0], sizes = [16, 1, 8, 128], strides = [1, 1, 1, 1]} : vector<16x8x8x128xf32> to vector<16x1x8x128xf32>
    %squeeze3A_360 = vector.shape_cast %slice3A_359 : vector<16x1x8x128xf32> to vector<16x8x128xf32>
    %reshape3A_361 = vector.shape_cast %squeeze3A_360 : vector<16x8x128xf32> to vector<128x128xf32>
    %transpose3A_362 = tpu.transpose %reshape3A_361, [1, 0] : vector<128x128xf32> -> vector<128x128xf32>
    %reshape3A_363 = vector.shape_cast %transpose3A_362 : vector<128x128xf32> to vector<16x8x128xf32>
    %swap3A_364 = arith.constant 80 : index
    %swap3A_365 = arith.constant 3 : index
    %swap3A_366 = arith.constant 0 : index
    %swap3A_367 = arith.constant 0 : index
    %swap3A_368 = vector.load %arg2[%swap3A_364, %swap3A_365, %swap3A_366, %swap3A_367] : memref<125x8x8x128xf32, #tpu.memory_space<vmem>>, vector<16x1x8x128xf32>
    %swap3A_369 = vector.shape_cast %swap3A_368 : vector<16x1x8x128xf32> to vector<16x8x128xf32>
    %swap3A_370 = vector.shape_cast %reshape3A_363 : vector<16x8x128xf32> to vector<16x1x8x128xf32>
    tpu.vector_store %arg2[%swap3A_364, %swap3A_365, %swap3A_366, %swap3A_367], %swap3A_370 {strides = array<i32>} : memref<125x8x8x128xf32, #tpu.memory_space<vmem>>, vector<16x1x8x128xf32>,
    %slice3A_371 = vector.extract_strided_slice %transpose3A_298 {offsets = [0, 6, 0, 0], sizes = [16, 1, 8, 128], strides = [1, 1, 1, 1]} : vector<16x8x8x128xf32> to vector<16x1x8x128xf32>
    %squeeze3A_372 = vector.shape_cast %slice3A_371 : vector<16x1x8x128xf32> to vector<16x8x128xf32>
    %reshape3A_373 = vector.shape_cast %squeeze3A_372 : vector<16x8x128xf32> to vector<128x128xf32>
    %transpose3A_374 = tpu.transpose %reshape3A_373, [1, 0] : vector<128x128xf32> -> vector<128x128xf32>
    %reshape3A_375 = vector.shape_cast %transpose3A_374 : vector<128x128xf32> to vector<16x8x128xf32>
    %swap3A_376 = arith.constant 96 : index
    %swap3A_377 = arith.constant 3 : index
    %swap3A_378 = arith.constant 0 : index
    %swap3A_379 = arith.constant 0 : index
    %swap3A_380 = vector.load %arg2[%swap3A_376, %swap3A_377, %swap3A_378, %swap3A_379] : memref<125x8x8x128xf32, #tpu.memory_space<vmem>>, vector<16x1x8x128xf32>
    %swap3A_381 = vector.shape_cast %swap3A_380 : vector<16x1x8x128xf32> to vector<16x8x128xf32>
    %swap3A_382 = vector.shape_cast %reshape3A_375 : vector<16x8x128xf32> to vector<16x1x8x128xf32>
    tpu.vector_store %arg2[%swap3A_376, %swap3A_377, %swap3A_378, %swap3A_379], %swap3A_382 {strides = array<i32>} : memref<125x8x8x128xf32, #tpu.memory_space<vmem>>, vector<16x1x8x128xf32>,
    %slice3A_383 = vector.extract_strided_slice %transpose3A_298 {offsets = [0, 7, 0, 0], sizes = [16, 1, 8, 128], strides = [1, 1, 1, 1]} : vector<16x8x8x128xf32> to vector<16x1x8x128xf32>
    %squeeze3A_384 = vector.shape_cast %slice3A_383 : vector<16x1x8x128xf32> to vector<16x8x128xf32>
    %reshape3A_385 = vector.shape_cast %squeeze3A_384 : vector<16x8x128xf32> to vector<128x128xf32>
    %transpose3A_386 = tpu.transpose %reshape3A_385, [1, 0] : vector<128x128xf32> -> vector<128x128xf32>
    %reshape3A_387 = vector.shape_cast %transpose3A_386 : vector<128x128xf32> to vector<16x8x128xf32>
    %slice3A_388 = vector.extract_strided_slice %reshape3A_387 {offsets = [0, 0, 0], sizes = [13, 8, 128], strides = [1, 1, 1]} : vector<16x8x128xf32> to vector<13x8x128xf32>
    %swap3A_389 = arith.constant 112 : index
    %swap3A_390 = arith.constant 3 : index
    %swap3A_391 = arith.constant 0 : index
    %swap3A_392 = arith.constant 0 : index
    %swap3A_393 = vector.load %arg2[%swap3A_389, %swap3A_390, %swap3A_391, %swap3A_392] : memref<125x8x8x128xf32, #tpu.memory_space<vmem>>, vector<13x1x8x128xf32>
    %swap3A_394 = vector.shape_cast %swap3A_393 : vector<13x1x8x128xf32> to vector<13x8x128xf32>
    %swap3A_395 = vector.shape_cast %slice3A_388 : vector<13x8x128xf32> to vector<13x1x8x128xf32>
    tpu.vector_store %arg2[%swap3A_389, %swap3A_390, %swap3A_391, %swap3A_392], %swap3A_395 {strides = array<i32>} : memref<125x8x8x128xf32, #tpu.memory_space<vmem>>, vector<13x1x8x128xf32>,
    %slice3A_396 = vector.extract_strided_slice %get3A_0 {offsets = [524288], sizes = [131072], strides = [1]} : vector<1048576xf32> to vector<131072xf32>
    %reshape3A_397 = vector.shape_cast %slice3A_396 : vector<131072xf32> to vector<16x8x8x128xf32>
    %transpose3A_398 = tpu.transpose %reshape3A_397, [0, 2, 1, 3] : vector<16x8x8x128xf32> -> vector<16x8x8x128xf32>
    %slice3A_399 = vector.extract_strided_slice %transpose3A_398 {offsets = [0, 0, 0, 0], sizes = [16, 1, 8, 128], strides = [1, 1, 1, 1]} : vector<16x8x8x128xf32> to vector<16x1x8x128xf32>
    %squeeze3A_400 = vector.shape_cast %slice3A_399 : vector<16x1x8x128xf32> to vector<16x8x128xf32>
    %reshape3A_401 = vector.shape_cast %squeeze3A_400 : vector<16x8x128xf32> to vector<128x128xf32>
    %transpose3A_402 = tpu.transpose %reshape3A_401, [1, 0] : vector<128x128xf32> -> vector<128x128xf32>
    %reshape3A_403 = vector.shape_cast %transpose3A_402 : vector<128x128xf32> to vector<16x8x128xf32>
    %swap3A_404 = arith.constant 0 : index
    %swap3A_405 = arith.constant 4 : index
    %swap3A_406 = arith.constant 0 : index
    %swap3A_407 = arith.constant 0 : index
    %swap3A_408 = vector.load %arg2[%swap3A_404, %swap3A_405, %swap3A_406, %swap3A_407] : memref<125x8x8x128xf32, #tpu.memory_space<vmem>>, vector<16x1x8x128xf32>
    %swap3A_409 = vector.shape_cast %swap3A_408 : vector<16x1x8x128xf32> to vector<16x8x128xf32>
    %swap3A_410 = vector.shape_cast %reshape3A_403 : vector<16x8x128xf32> to vector<16x1x8x128xf32>
    tpu.vector_store %arg2[%swap3A_404, %swap3A_405, %swap3A_406, %swap3A_407], %swap3A_410 {strides = array<i32>} : memref<125x8x8x128xf32, #tpu.memory_space<vmem>>, vector<16x1x8x128xf32>,
    %slice3A_411 = vector.extract_strided_slice %transpose3A_398 {offsets = [0, 1, 0, 0], sizes = [16, 1, 8, 128], strides = [1, 1, 1, 1]} : vector<16x8x8x128xf32> to vector<16x1x8x128xf32>
    %squeeze3A_412 = vector.shape_cast %slice3A_411 : vector<16x1x8x128xf32> to vector<16x8x128xf32>
    %reshape3A_413 = vector.shape_cast %squeeze3A_412 : vector<16x8x128xf32> to vector<128x128xf32>
    %transpose3A_414 = tpu.transpose %reshape3A_413, [1, 0] : vector<128x128xf32> -> vector<128x128xf32>
    %reshape3A_415 = vector.shape_cast %transpose3A_414 : vector<128x128xf32> to vector<16x8x128xf32>
    %swap3A_416 = arith.constant 16 : index
    %swap3A_417 = arith.constant 4 : index
    %swap3A_418 = arith.constant 0 : index
    %swap3A_419 = arith.constant 0 : index
    %swap3A_420 = vector.load %arg2[%swap3A_416, %swap3A_417, %swap3A_418, %swap3A_419] : memref<125x8x8x128xf32, #tpu.memory_space<vmem>>, vector<16x1x8x128xf32>
    %swap3A_421 = vector.shape_cast %swap3A_420 : vector<16x1x8x128xf32> to vector<16x8x128xf32>
    %swap3A_422 = vector.shape_cast %reshape3A_415 : vector<16x8x128xf32> to vector<16x1x8x128xf32>
    tpu.vector_store %arg2[%swap3A_416, %swap3A_417, %swap3A_418, %swap3A_419], %swap3A_422 {strides = array<i32>} : memref<125x8x8x128xf32, #tpu.memory_space<vmem>>, vector<16x1x8x128xf32>,
    %slice3A_423 = vector.extract_strided_slice %transpose3A_398 {offsets = [0, 2, 0, 0], sizes = [16, 1, 8, 128], strides = [1, 1, 1, 1]} : vector<16x8x8x128xf32> to vector<16x1x8x128xf32>
    %squeeze3A_424 = vector.shape_cast %slice3A_423 : vector<16x1x8x128xf32> to vector<16x8x128xf32>
    %reshape3A_425 = vector.shape_cast %squeeze3A_424 : vector<16x8x128xf32> to vector<128x128xf32>
    %transpose3A_426 = tpu.transpose %reshape3A_425, [1, 0] : vector<128x128xf32> -> vector<128x128xf32>
    %reshape3A_427 = vector.shape_cast %transpose3A_426 : vector<128x128xf32> to vector<16x8x128xf32>
    %swap3A_428 = arith.constant 32 : index
    %swap3A_429 = arith.constant 4 : index
    %swap3A_430 = arith.constant 0 : index
    %swap3A_431 = arith.constant 0 : index
    %swap3A_432 = vector.load %arg2[%swap3A_428, %swap3A_429, %swap3A_430, %swap3A_431] : memref<125x8x8x128xf32, #tpu.memory_space<vmem>>, vector<16x1x8x128xf32>
    %swap3A_433 = vector.shape_cast %swap3A_432 : vector<16x1x8x128xf32> to vector<16x8x128xf32>
    %swap3A_434 = vector.shape_cast %reshape3A_427 : vector<16x8x128xf32> to vector<16x1x8x128xf32>
    tpu.vector_store %arg2[%swap3A_428, %swap3A_429, %swap3A_430, %swap3A_431], %swap3A_434 {strides = array<i32>} : memref<125x8x8x128xf32, #tpu.memory_space<vmem>>, vector<16x1x8x128xf32>,
    %slice3A_435 = vector.extract_strided_slice %transpose3A_398 {offsets = [0, 3, 0, 0], sizes = [16, 1, 8, 128], strides = [1, 1, 1, 1]} : vector<16x8x8x128xf32> to vector<16x1x8x128xf32>
    %squeeze3A_436 = vector.shape_cast %slice3A_435 : vector<16x1x8x128xf32> to vector<16x8x128xf32>
    %reshape3A_437 = vector.shape_cast %squeeze3A_436 : vector<16x8x128xf32> to vector<128x128xf32>
    %transpose3A_438 = tpu.transpose %reshape3A_437, [1, 0] : vector<128x128xf32> -> vector<128x128xf32>
    %reshape3A_439 = vector.shape_cast %transpose3A_438 : vector<128x128xf32> to vector<16x8x128xf32>
    %swap3A_440 = arith.constant 48 : index
    %swap3A_441 = arith.constant 4 : index
    %swap3A_442 = arith.constant 0 : index
    %swap3A_443 = arith.constant 0 : index
    %swap3A_444 = vector.load %arg2[%swap3A_440, %swap3A_441, %swap3A_442, %swap3A_443] : memref<125x8x8x128xf32, #tpu.memory_space<vmem>>, vector<16x1x8x128xf32>
    %swap3A_445 = vector.shape_cast %swap3A_444 : vector<16x1x8x128xf32> to vector<16x8x128xf32>
    %swap3A_446 = vector.shape_cast %reshape3A_439 : vector<16x8x128xf32> to vector<16x1x8x128xf32>
    tpu.vector_store %arg2[%swap3A_440, %swap3A_441, %swap3A_442, %swap3A_443], %swap3A_446 {strides = array<i32>} : memref<125x8x8x128xf32, #tpu.memory_space<vmem>>, vector<16x1x8x128xf32>,
    %slice3A_447 = vector.extract_strided_slice %transpose3A_398 {offsets = [0, 4, 0, 0], sizes = [16, 1, 8, 128], strides = [1, 1, 1, 1]} : vector<16x8x8x128xf32> to vector<16x1x8x128xf32>
    %squeeze3A_448 = vector.shape_cast %slice3A_447 : vector<16x1x8x128xf32> to vector<16x8x128xf32>
    %reshape3A_449 = vector.shape_cast %squeeze3A_448 : vector<16x8x128xf32> to vector<128x128xf32>
    %transpose3A_450 = tpu.transpose %reshape3A_449, [1, 0] : vector<128x128xf32> -> vector<128x128xf32>
    %reshape3A_451 = vector.shape_cast %transpose3A_450 : vector<128x128xf32> to vector<16x8x128xf32>
    %swap3A_452 = arith.constant 64 : index
    %swap3A_453 = arith.constant 4 : index
    %swap3A_454 = arith.constant 0 : index
    %swap3A_455 = arith.constant 0 : index
    %swap3A_456 = vector.load %arg2[%swap3A_452, %swap3A_453, %swap3A_454, %swap3A_455] : memref<125x8x8x128xf32, #tpu.memory_space<vmem>>, vector<16x1x8x128xf32>
    %swap3A_457 = vector.shape_cast %swap3A_456 : vector<16x1x8x128xf32> to vector<16x8x128xf32>
    %swap3A_458 = vector.shape_cast %reshape3A_451 : vector<16x8x128xf32> to vector<16x1x8x128xf32>
    tpu.vector_store %arg2[%swap3A_452, %swap3A_453, %swap3A_454, %swap3A_455], %swap3A_458 {strides = array<i32>} : memref<125x8x8x128xf32, #tpu.memory_space<vmem>>, vector<16x1x8x128xf32>,
    %slice3A_459 = vector.extract_strided_slice %transpose3A_398 {offsets = [0, 5, 0, 0], sizes = [16, 1, 8, 128], strides = [1, 1, 1, 1]} : vector<16x8x8x128xf32> to vector<16x1x8x128xf32>
    %squeeze3A_460 = vector.shape_cast %slice3A_459 : vector<16x1x8x128xf32> to vector<16x8x128xf32>
    %reshape3A_461 = vector.shape_cast %squeeze3A_460 : vector<16x8x128xf32> to vector<128x128xf32>
    %transpose3A_462 = tpu.transpose %reshape3A_461, [1, 0] : vector<128x128xf32> -> vector<128x128xf32>
    %reshape3A_463 = vector.shape_cast %transpose3A_462 : vector<128x128xf32> to vector<16x8x128xf32>
    %swap3A_464 = arith.constant 80 : index
    %swap3A_465 = arith.constant 4 : index
    %swap3A_466 = arith.constant 0 : index
    %swap3A_467 = arith.constant 0 : index
    %swap3A_468 = vector.load %arg2[%swap3A_464, %swap3A_465, %swap3A_466, %swap3A_467] : memref<125x8x8x128xf32, #tpu.memory_space<vmem>>, vector<16x1x8x128xf32>
    %swap3A_469 = vector.shape_cast %swap3A_468 : vector<16x1x8x128xf32> to vector<16x8x128xf32>
    %swap3A_470 = vector.shape_cast %reshape3A_463 : vector<16x8x128xf32> to vector<16x1x8x128xf32>
    tpu.vector_store %arg2[%swap3A_464, %swap3A_465, %swap3A_466, %swap3A_467], %swap3A_470 {strides = array<i32>} : memref<125x8x8x128xf32, #tpu.memory_space<vmem>>, vector<16x1x8x128xf32>,
    %slice3A_471 = vector.extract_strided_slice %transpose3A_398 {offsets = [0, 6, 0, 0], sizes = [16, 1, 8, 128], strides = [1, 1, 1, 1]} : vector<16x8x8x128xf32> to vector<16x1x8x128xf32>
    %squeeze3A_472 = vector.shape_cast %slice3A_471 : vector<16x1x8x128xf32> to vector<16x8x128xf32>
    %reshape3A_473 = vector.shape_cast %squeeze3A_472 : vector<16x8x128xf32> to vector<128x128xf32>
    %transpose3A_474 = tpu.transpose %reshape3A_473, [1, 0] : vector<128x128xf32> -> vector<128x128xf32>
    %reshape3A_475 = vector.shape_cast %transpose3A_474 : vector<128x128xf32> to vector<16x8x128xf32>
    %swap3A_476 = arith.constant 96 : index
    %swap3A_477 = arith.constant 4 : index
    %swap3A_478 = arith.constant 0 : index
    %swap3A_479 = arith.constant 0 : index
    %swap3A_480 = vector.load %arg2[%swap3A_476, %swap3A_477, %swap3A_478, %swap3A_479] : memref<125x8x8x128xf32, #tpu.memory_space<vmem>>, vector<16x1x8x128xf32>
    %swap3A_481 = vector.shape_cast %swap3A_480 : vector<16x1x8x128xf32> to vector<16x8x128xf32>
    %swap3A_482 = vector.shape_cast %reshape3A_475 : vector<16x8x128xf32> to vector<16x1x8x128xf32>
    tpu.vector_store %arg2[%swap3A_476, %swap3A_477, %swap3A_478, %swap3A_479], %swap3A_482 {strides = array<i32>} : memref<125x8x8x128xf32, #tpu.memory_space<vmem>>, vector<16x1x8x128xf32>,
    %slice3A_483 = vector.extract_strided_slice %transpose3A_398 {offsets = [0, 7, 0, 0], sizes = [16, 1, 8, 128], strides = [1, 1, 1, 1]} : vector<16x8x8x128xf32> to vector<16x1x8x128xf32>
    %squeeze3A_484 = vector.shape_cast %slice3A_483 : vector<16x1x8x128xf32> to vector<16x8x128xf32>
    %reshape3A_485 = vector.shape_cast %squeeze3A_484 : vector<16x8x128xf32> to vector<128x128xf32>
    %transpose3A_486 = tpu.transpose %reshape3A_485, [1, 0] : vector<128x128xf32> -> vector<128x128xf32>
    %reshape3A_487 = vector.shape_cast %transpose3A_486 : vector<128x128xf32> to vector<16x8x128xf32>
    %slice3A_488 = vector.extract_strided_slice %reshape3A_487 {offsets = [0, 0, 0], sizes = [13, 8, 128], strides = [1, 1, 1]} : vector<16x8x128xf32> to vector<13x8x128xf32>
    %swap3A_489 = arith.constant 112 : index
    %swap3A_490 = arith.constant 4 : index
    %swap3A_491 = arith.constant 0 : index
    %swap3A_492 = arith.constant 0 : index
    %swap3A_493 = vector.load %arg2[%swap3A_489, %swap3A_490, %swap3A_491, %swap3A_492] : memref<125x8x8x128xf32, #tpu.memory_space<vmem>>, vector<13x1x8x128xf32>
    %swap3A_494 = vector.shape_cast %swap3A_493 : vector<13x1x8x128xf32> to vector<13x8x128xf32>
    %swap3A_495 = vector.shape_cast %slice3A_488 : vector<13x8x128xf32> to vector<13x1x8x128xf32>
    tpu.vector_store %arg2[%swap3A_489, %swap3A_490, %swap3A_491, %swap3A_492], %swap3A_495 {strides = array<i32>} : memref<125x8x8x128xf32, #tpu.memory_space<vmem>>, vector<13x1x8x128xf32>,
    %slice3A_496 = vector.extract_strided_slice %get3A_0 {offsets = [655360], sizes = [131072], strides = [1]} : vector<1048576xf32> to vector<131072xf32>
    %reshape3A_497 = vector.shape_cast %slice3A_496 : vector<131072xf32> to vector<16x8x8x128xf32>
    %transpose3A_498 = tpu.transpose %reshape3A_497, [0, 2, 1, 3] : vector<16x8x8x128xf32> -> vector<16x8x8x128xf32>
    %slice3A_499 = vector.extract_strided_slice %transpose3A_498 {offsets = [0, 0, 0, 0], sizes = [16, 1, 8, 128], strides = [1, 1, 1, 1]} : vector<16x8x8x128xf32> to vector<16x1x8x128xf32>
    %squeeze3A_500 = vector.shape_cast %slice3A_499 : vector<16x1x8x128xf32> to vector<16x8x128xf32>
    %reshape3A_501 = vector.shape_cast %squeeze3A_500 : vector<16x8x128xf32> to vector<128x128xf32>
    %transpose3A_502 = tpu.transpose %reshape3A_501, [1, 0] : vector<128x128xf32> -> vector<128x128xf32>
    %reshape3A_503 = vector.shape_cast %transpose3A_502 : vector<128x128xf32> to vector<16x8x128xf32>
    %swap3A_504 = arith.constant 0 : index
    %swap3A_505 = arith.constant 5 : index
    %swap3A_506 = arith.constant 0 : index
    %swap3A_507 = arith.constant 0 : index
    %swap3A_508 = vector.load %arg2[%swap3A_504, %swap3A_505, %swap3A_506, %swap3A_507] : memref<125x8x8x128xf32, #tpu.memory_space<vmem>>, vector<16x1x8x128xf32>
    %swap3A_509 = vector.shape_cast %swap3A_508 : vector<16x1x8x128xf32> to vector<16x8x128xf32>
    %swap3A_510 = vector.shape_cast %reshape3A_503 : vector<16x8x128xf32> to vector<16x1x8x128xf32>
    tpu.vector_store %arg2[%swap3A_504, %swap3A_505, %swap3A_506, %swap3A_507], %swap3A_510 {strides = array<i32>} : memref<125x8x8x128xf32, #tpu.memory_space<vmem>>, vector<16x1x8x128xf32>,
    %slice3A_511 = vector.extract_strided_slice %transpose3A_498 {offsets = [0, 1, 0, 0], sizes = [16, 1, 8, 128], strides = [1, 1, 1, 1]} : vector<16x8x8x128xf32> to vector<16x1x8x128xf32>
    %squeeze3A_512 = vector.shape_cast %slice3A_511 : vector<16x1x8x128xf32> to vector<16x8x128xf32>
    %reshape3A_513 = vector.shape_cast %squeeze3A_512 : vector<16x8x128xf32> to vector<128x128xf32>
    %transpose3A_514 = tpu.transpose %reshape3A_513, [1, 0] : vector<128x128xf32> -> vector<128x128xf32>
    %reshape3A_515 = vector.shape_cast %transpose3A_514 : vector<128x128xf32> to vector<16x8x128xf32>
    %swap3A_516 = arith.constant 16 : index
    %swap3A_517 = arith.constant 5 : index
    %swap3A_518 = arith.constant 0 : index
    %swap3A_519 = arith.constant 0 : index
    %swap3A_520 = vector.load %arg2[%swap3A_516, %swap3A_517, %swap3A_518, %swap3A_519] : memref<125x8x8x128xf32, #tpu.memory_space<vmem>>, vector<16x1x8x128xf32>
    %swap3A_521 = vector.shape_cast %swap3A_520 : vector<16x1x8x128xf32> to vector<16x8x128xf32>
    %swap3A_522 = vector.shape_cast %reshape3A_515 : vector<16x8x128xf32> to vector<16x1x8x128xf32>
    tpu.vector_store %arg2[%swap3A_516, %swap3A_517, %swap3A_518, %swap3A_519], %swap3A_522 {strides = array<i32>} : memref<125x8x8x128xf32, #tpu.memory_space<vmem>>, vector<16x1x8x128xf32>,
    %slice3A_523 = vector.extract_strided_slice %transpose3A_498 {offsets = [0, 2, 0, 0], sizes = [16, 1, 8, 128], strides = [1, 1, 1, 1]} : vector<16x8x8x128xf32> to vector<16x1x8x128xf32>
    %squeeze3A_524 = vector.shape_cast %slice3A_523 : vector<16x1x8x128xf32> to vector<16x8x128xf32>
    %reshape3A_525 = vector.shape_cast %squeeze3A_524 : vector<16x8x128xf32> to vector<128x128xf32>
    %transpose3A_526 = tpu.transpose %reshape3A_525, [1, 0] : vector<128x128xf32> -> vector<128x128xf32>
    %reshape3A_527 = vector.shape_cast %transpose3A_526 : vector<128x128xf32> to vector<16x8x128xf32>
    %swap3A_528 = arith.constant 32 : index
    %swap3A_529 = arith.constant 5 : index
    %swap3A_530 = arith.constant 0 : index
    %swap3A_531 = arith.constant 0 : index
    %swap3A_532 = vector.load %arg2[%swap3A_528, %swap3A_529, %swap3A_530, %swap3A_531] : memref<125x8x8x128xf32, #tpu.memory_space<vmem>>, vector<16x1x8x128xf32>
    %swap3A_533 = vector.shape_cast %swap3A_532 : vector<16x1x8x128xf32> to vector<16x8x128xf32>
    %swap3A_534 = vector.shape_cast %reshape3A_527 : vector<16x8x128xf32> to vector<16x1x8x128xf32>
    tpu.vector_store %arg2[%swap3A_528, %swap3A_529, %swap3A_530, %swap3A_531], %swap3A_534 {strides = array<i32>} : memref<125x8x8x128xf32, #tpu.memory_space<vmem>>, vector<16x1x8x128xf32>,
    %slice3A_535 = vector.extract_strided_slice %transpose3A_498 {offsets = [0, 3, 0, 0], sizes = [16, 1, 8, 128], strides = [1, 1, 1, 1]} : vector<16x8x8x128xf32> to vector<16x1x8x128xf32>
    %squeeze3A_536 = vector.shape_cast %slice3A_535 : vector<16x1x8x128xf32> to vector<16x8x128xf32>
    %reshape3A_537 = vector.shape_cast %squeeze3A_536 : vector<16x8x128xf32> to vector<128x128xf32>
    %transpose3A_538 = tpu.transpose %reshape3A_537, [1, 0] : vector<128x128xf32> -> vector<128x128xf32>
    %reshape3A_539 = vector.shape_cast %transpose3A_538 : vector<128x128xf32> to vector<16x8x128xf32>
    %swap3A_540 = arith.constant 48 : index
    %swap3A_541 = arith.constant 5 : index
    %swap3A_542 = arith.constant 0 : index
    %swap3A_543 = arith.constant 0 : index
    %swap3A_544 = vector.load %arg2[%swap3A_540, %swap3A_541, %swap3A_542, %swap3A_543] : memref<125x8x8x128xf32, #tpu.memory_space<vmem>>, vector<16x1x8x128xf32>
    %swap3A_545 = vector.shape_cast %swap3A_544 : vector<16x1x8x128xf32> to vector<16x8x128xf32>
    %swap3A_546 = vector.shape_cast %reshape3A_539 : vector<16x8x128xf32> to vector<16x1x8x128xf32>
    tpu.vector_store %arg2[%swap3A_540, %swap3A_541, %swap3A_542, %swap3A_543], %swap3A_546 {strides = array<i32>} : memref<125x8x8x128xf32, #tpu.memory_space<vmem>>, vector<16x1x8x128xf32>,
    %slice3A_547 = vector.extract_strided_slice %transpose3A_498 {offsets = [0, 4, 0, 0], sizes = [16, 1, 8, 128], strides = [1, 1, 1, 1]} : vector<16x8x8x128xf32> to vector<16x1x8x128xf32>
    %squeeze3A_548 = vector.shape_cast %slice3A_547 : vector<16x1x8x128xf32> to vector<16x8x128xf32>
    %reshape3A_549 = vector.shape_cast %squeeze3A_548 : vector<16x8x128xf32> to vector<128x128xf32>
    %transpose3A_550 = tpu.transpose %reshape3A_549, [1, 0] : vector<128x128xf32> -> vector<128x128xf32>
    %reshape3A_551 = vector.shape_cast %transpose3A_550 : vector<128x128xf32> to vector<16x8x128xf32>
    %swap3A_552 = arith.constant 64 : index
    %swap3A_553 = arith.constant 5 : index
    %swap3A_554 = arith.constant 0 : index
    %swap3A_555 = arith.constant 0 : index
    %swap3A_556 = vector.load %arg2[%swap3A_552, %swap3A_553, %swap3A_554, %swap3A_555] : memref<125x8x8x128xf32, #tpu.memory_space<vmem>>, vector<16x1x8x128xf32>
    %swap3A_557 = vector.shape_cast %swap3A_556 : vector<16x1x8x128xf32> to vector<16x8x128xf32>
    %swap3A_558 = vector.shape_cast %reshape3A_551 : vector<16x8x128xf32> to vector<16x1x8x128xf32>
    tpu.vector_store %arg2[%swap3A_552, %swap3A_553, %swap3A_554, %swap3A_555], %swap3A_558 {strides = array<i32>} : memref<125x8x8x128xf32, #tpu.memory_space<vmem>>, vector<16x1x8x128xf32>,
    %slice3A_559 = vector.extract_strided_slice %transpose3A_498 {offsets = [0, 5, 0, 0], sizes = [16, 1, 8, 128], strides = [1, 1, 1, 1]} : vector<16x8x8x128xf32> to vector<16x1x8x128xf32>
    %squeeze3A_560 = vector.shape_cast %slice3A_559 : vector<16x1x8x128xf32> to vector<16x8x128xf32>
    %reshape3A_561 = vector.shape_cast %squeeze3A_560 : vector<16x8x128xf32> to vector<128x128xf32>
    %transpose3A_562 = tpu.transpose %reshape3A_561, [1, 0] : vector<128x128xf32> -> vector<128x128xf32>
    %reshape3A_563 = vector.shape_cast %transpose3A_562 : vector<128x128xf32> to vector<16x8x128xf32>
    %swap3A_564 = arith.constant 80 : index
    %swap3A_565 = arith.constant 5 : index
    %swap3A_566 = arith.constant 0 : index
    %swap3A_567 = arith.constant 0 : index
    %swap3A_568 = vector.load %arg2[%swap3A_564, %swap3A_565, %swap3A_566, %swap3A_567] : memref<125x8x8x128xf32, #tpu.memory_space<vmem>>, vector<16x1x8x128xf32>
    %swap3A_569 = vector.shape_cast %swap3A_568 : vector<16x1x8x128xf32> to vector<16x8x128xf32>
    %swap3A_570 = vector.shape_cast %reshape3A_563 : vector<16x8x128xf32> to vector<16x1x8x128xf32>
    tpu.vector_store %arg2[%swap3A_564, %swap3A_565, %swap3A_566, %swap3A_567], %swap3A_570 {strides = array<i32>} : memref<125x8x8x128xf32, #tpu.memory_space<vmem>>, vector<16x1x8x128xf32>,
    %slice3A_571 = vector.extract_strided_slice %transpose3A_498 {offsets = [0, 6, 0, 0], sizes = [16, 1, 8, 128], strides = [1, 1, 1, 1]} : vector<16x8x8x128xf32> to vector<16x1x8x128xf32>
    %squeeze3A_572 = vector.shape_cast %slice3A_571 : vector<16x1x8x128xf32> to vector<16x8x128xf32>
    %reshape3A_573 = vector.shape_cast %squeeze3A_572 : vector<16x8x128xf32> to vector<128x128xf32>
    %transpose3A_574 = tpu.transpose %reshape3A_573, [1, 0] : vector<128x128xf32> -> vector<128x128xf32>
    %reshape3A_575 = vector.shape_cast %transpose3A_574 : vector<128x128xf32> to vector<16x8x128xf32>
    %swap3A_576 = arith.constant 96 : index
    %swap3A_577 = arith.constant 5 : index
    %swap3A_578 = arith.constant 0 : index
    %swap3A_579 = arith.constant 0 : index
    %swap3A_580 = vector.load %arg2[%swap3A_576, %swap3A_577, %swap3A_578, %swap3A_579] : memref<125x8x8x128xf32, #tpu.memory_space<vmem>>, vector<16x1x8x128xf32>
    %swap3A_581 = vector.shape_cast %swap3A_580 : vector<16x1x8x128xf32> to vector<16x8x128xf32>
    %swap3A_582 = vector.shape_cast %reshape3A_575 : vector<16x8x128xf32> to vector<16x1x8x128xf32>
    tpu.vector_store %arg2[%swap3A_576, %swap3A_577, %swap3A_578, %swap3A_579], %swap3A_582 {strides = array<i32>} : memref<125x8x8x128xf32, #tpu.memory_space<vmem>>, vector<16x1x8x128xf32>,
    %slice3A_583 = vector.extract_strided_slice %transpose3A_498 {offsets = [0, 7, 0, 0], sizes = [16, 1, 8, 128], strides = [1, 1, 1, 1]} : vector<16x8x8x128xf32> to vector<16x1x8x128xf32>
    %squeeze3A_584 = vector.shape_cast %slice3A_583 : vector<16x1x8x128xf32> to vector<16x8x128xf32>
    %reshape3A_585 = vector.shape_cast %squeeze3A_584 : vector<16x8x128xf32> to vector<128x128xf32>
    %transpose3A_586 = tpu.transpose %reshape3A_585, [1, 0] : vector<128x128xf32> -> vector<128x128xf32>
    %reshape3A_587 = vector.shape_cast %transpose3A_586 : vector<128x128xf32> to vector<16x8x128xf32>
    %slice3A_588 = vector.extract_strided_slice %reshape3A_587 {offsets = [0, 0, 0], sizes = [13, 8, 128], strides = [1, 1, 1]} : vector<16x8x128xf32> to vector<13x8x128xf32>
    %swap3A_589 = arith.constant 112 : index
    %swap3A_590 = arith.constant 5 : index
    %swap3A_591 = arith.constant 0 : index
    %swap3A_592 = arith.constant 0 : index
    %swap3A_593 = vector.load %arg2[%swap3A_589, %swap3A_590, %swap3A_591, %swap3A_592] : memref<125x8x8x128xf32, #tpu.memory_space<vmem>>, vector<13x1x8x128xf32>
    %swap3A_594 = vector.shape_cast %swap3A_593 : vector<13x1x8x128xf32> to vector<13x8x128xf32>
    %swap3A_595 = vector.shape_cast %slice3A_588 : vector<13x8x128xf32> to vector<13x1x8x128xf32>
    tpu.vector_store %arg2[%swap3A_589, %swap3A_590, %swap3A_591, %swap3A_592], %swap3A_595 {strides = array<i32>} : memref<125x8x8x128xf32, #tpu.memory_space<vmem>>, vector<13x1x8x128xf32>,
    %slice3A_596 = vector.extract_strided_slice %get3A_0 {offsets = [786432], sizes = [131072], strides = [1]} : vector<1048576xf32> to vector<131072xf32>
    %reshape3A_597 = vector.shape_cast %slice3A_596 : vector<131072xf32> to vector<16x8x8x128xf32>
    %transpose3A_598 = tpu.transpose %reshape3A_597, [0, 2, 1, 3] : vector<16x8x8x128xf32> -> vector<16x8x8x128xf32>
    %slice3A_599 = vector.extract_strided_slice %transpose3A_598 {offsets = [0, 0, 0, 0], sizes = [16, 1, 8, 128], strides = [1, 1, 1, 1]} : vector<16x8x8x128xf32> to vector<16x1x8x128xf32>
    %squeeze3A_600 = vector.shape_cast %slice3A_599 : vector<16x1x8x128xf32> to vector<16x8x128xf32>
    %reshape3A_601 = vector.shape_cast %squeeze3A_600 : vector<16x8x128xf32> to vector<128x128xf32>
    %transpose3A_602 = tpu.transpose %reshape3A_601, [1, 0] : vector<128x128xf32> -> vector<128x128xf32>
    %reshape3A_603 = vector.shape_cast %transpose3A_602 : vector<128x128xf32> to vector<16x8x128xf32>
    %swap3A_604 = arith.constant 0 : index
    %swap3A_605 = arith.constant 6 : index
    %swap3A_606 = arith.constant 0 : index
    %swap3A_607 = arith.constant 0 : index
    %swap3A_608 = vector.load %arg2[%swap3A_604, %swap3A_605, %swap3A_606, %swap3A_607] : memref<125x8x8x128xf32, #tpu.memory_space<vmem>>, vector<16x1x8x128xf32>
    %swap3A_609 = vector.shape_cast %swap3A_608 : vector<16x1x8x128xf32> to vector<16x8x128xf32>
    %swap3A_610 = vector.shape_cast %reshape3A_603 : vector<16x8x128xf32> to vector<16x1x8x128xf32>
    tpu.vector_store %arg2[%swap3A_604, %swap3A_605, %swap3A_606, %swap3A_607], %swap3A_610 {strides = array<i32>} : memref<125x8x8x128xf32, #tpu.memory_space<vmem>>, vector<16x1x8x128xf32>,
    %slice3A_611 = vector.extract_strided_slice %transpose3A_598 {offsets = [0, 1, 0, 0], sizes = [16, 1, 8, 128], strides = [1, 1, 1, 1]} : vector<16x8x8x128xf32> to vector<16x1x8x128xf32>
    %squeeze3A_612 = vector.shape_cast %slice3A_611 : vector<16x1x8x128xf32> to vector<16x8x128xf32>
    %reshape3A_613 = vector.shape_cast %squeeze3A_612 : vector<16x8x128xf32> to vector<128x128xf32>
    %transpose3A_614 = tpu.transpose %reshape3A_613, [1, 0] : vector<128x128xf32> -> vector<128x128xf32>
    %reshape3A_615 = vector.shape_cast %transpose3A_614 : vector<128x128xf32> to vector<16x8x128xf32>
    %swap3A_616 = arith.constant 16 : index
    %swap3A_617 = arith.constant 6 : index
    %swap3A_618 = arith.constant 0 : index
    %swap3A_619 = arith.constant 0 : index
    %swap3A_620 = vector.load %arg2[%swap3A_616, %swap3A_617, %swap3A_618, %swap3A_619] : memref<125x8x8x128xf32, #tpu.memory_space<vmem>>, vector<16x1x8x128xf32>
    %swap3A_621 = vector.shape_cast %swap3A_620 : vector<16x1x8x128xf32> to vector<16x8x128xf32>
    %swap3A_622 = vector.shape_cast %reshape3A_615 : vector<16x8x128xf32> to vector<16x1x8x128xf32>
    tpu.vector_store %arg2[%swap3A_616, %swap3A_617, %swap3A_618, %swap3A_619], %swap3A_622 {strides = array<i32>} : memref<125x8x8x128xf32, #tpu.memory_space<vmem>>, vector<16x1x8x128xf32>,
    %slice3A_623 = vector.extract_strided_slice %transpose3A_598 {offsets = [0, 2, 0, 0], sizes = [16, 1, 8, 128], strides = [1, 1, 1, 1]} : vector<16x8x8x128xf32> to vector<16x1x8x128xf32>
    %squeeze3A_624 = vector.shape_cast %slice3A_623 : vector<16x1x8x128xf32> to vector<16x8x128xf32>
    %reshape3A_625 = vector.shape_cast %squeeze3A_624 : vector<16x8x128xf32> to vector<128x128xf32>
    %transpose3A_626 = tpu.transpose %reshape3A_625, [1, 0] : vector<128x128xf32> -> vector<128x128xf32>
    %reshape3A_627 = vector.shape_cast %transpose3A_626 : vector<128x128xf32> to vector<16x8x128xf32>
    %swap3A_628 = arith.constant 32 : index
    %swap3A_629 = arith.constant 6 : index
    %swap3A_630 = arith.constant 0 : index
    %swap3A_631 = arith.constant 0 : index
    %swap3A_632 = vector.load %arg2[%swap3A_628, %swap3A_629, %swap3A_630, %swap3A_631] : memref<125x8x8x128xf32, #tpu.memory_space<vmem>>, vector<16x1x8x128xf32>
    %swap3A_633 = vector.shape_cast %swap3A_632 : vector<16x1x8x128xf32> to vector<16x8x128xf32>
    %swap3A_634 = vector.shape_cast %reshape3A_627 : vector<16x8x128xf32> to vector<16x1x8x128xf32>
    tpu.vector_store %arg2[%swap3A_628, %swap3A_629, %swap3A_630, %swap3A_631], %swap3A_634 {strides = array<i32>} : memref<125x8x8x128xf32, #tpu.memory_space<vmem>>, vector<16x1x8x128xf32>,
    %slice3A_635 = vector.extract_strided_slice %transpose3A_598 {offsets = [0, 3, 0, 0], sizes = [16, 1, 8, 128], strides = [1, 1, 1, 1]} : vector<16x8x8x128xf32> to vector<16x1x8x128xf32>
    %squeeze3A_636 = vector.shape_cast %slice3A_635 : vector<16x1x8x128xf32> to vector<16x8x128xf32>
    %reshape3A_637 = vector.shape_cast %squeeze3A_636 : vector<16x8x128xf32> to vector<128x128xf32>
    %transpose3A_638 = tpu.transpose %reshape3A_637, [1, 0] : vector<128x128xf32> -> vector<128x128xf32>
    %reshape3A_639 = vector.shape_cast %transpose3A_638 : vector<128x128xf32> to vector<16x8x128xf32>
    %swap3A_640 = arith.constant 48 : index
    %swap3A_641 = arith.constant 6 : index
    %swap3A_642 = arith.constant 0 : index
    %swap3A_643 = arith.constant 0 : index
    %swap3A_644 = vector.load %arg2[%swap3A_640, %swap3A_641, %swap3A_642, %swap3A_643] : memref<125x8x8x128xf32, #tpu.memory_space<vmem>>, vector<16x1x8x128xf32>
    %swap3A_645 = vector.shape_cast %swap3A_644 : vector<16x1x8x128xf32> to vector<16x8x128xf32>
    %swap3A_646 = vector.shape_cast %reshape3A_639 : vector<16x8x128xf32> to vector<16x1x8x128xf32>
    tpu.vector_store %arg2[%swap3A_640, %swap3A_641, %swap3A_642, %swap3A_643], %swap3A_646 {strides = array<i32>} : memref<125x8x8x128xf32, #tpu.memory_space<vmem>>, vector<16x1x8x128xf32>,
    %slice3A_647 = vector.extract_strided_slice %transpose3A_598 {offsets = [0, 4, 0, 0], sizes = [16, 1, 8, 128], strides = [1, 1, 1, 1]} : vector<16x8x8x128xf32> to vector<16x1x8x128xf32>
    %squeeze3A_648 = vector.shape_cast %slice3A_647 : vector<16x1x8x128xf32> to vector<16x8x128xf32>
    %reshape3A_649 = vector.shape_cast %squeeze3A_648 : vector<16x8x128xf32> to vector<128x128xf32>
    %transpose3A_650 = tpu.transpose %reshape3A_649, [1, 0] : vector<128x128xf32> -> vector<128x128xf32>
    %reshape3A_651 = vector.shape_cast %transpose3A_650 : vector<128x128xf32> to vector<16x8x128xf32>
    %swap3A_652 = arith.constant 64 : index
    %swap3A_653 = arith.constant 6 : index
    %swap3A_654 = arith.constant 0 : index
    %swap3A_655 = arith.constant 0 : index
    %swap3A_656 = vector.load %arg2[%swap3A_652, %swap3A_653, %swap3A_654, %swap3A_655] : memref<125x8x8x128xf32, #tpu.memory_space<vmem>>, vector<16x1x8x128xf32>
    %swap3A_657 = vector.shape_cast %swap3A_656 : vector<16x1x8x128xf32> to vector<16x8x128xf32>
    %swap3A_658 = vector.shape_cast %reshape3A_651 : vector<16x8x128xf32> to vector<16x1x8x128xf32>
    tpu.vector_store %arg2[%swap3A_652, %swap3A_653, %swap3A_654, %swap3A_655], %swap3A_658 {strides = array<i32>} : memref<125x8x8x128xf32, #tpu.memory_space<vmem>>, vector<16x1x8x128xf32>,
    %slice3A_659 = vector.extract_strided_slice %transpose3A_598 {offsets = [0, 5, 0, 0], sizes = [16, 1, 8, 128], strides = [1, 1, 1, 1]} : vector<16x8x8x128xf32> to vector<16x1x8x128xf32>
    %squeeze3A_660 = vector.shape_cast %slice3A_659 : vector<16x1x8x128xf32> to vector<16x8x128xf32>
    %reshape3A_661 = vector.shape_cast %squeeze3A_660 : vector<16x8x128xf32> to vector<128x128xf32>
    %transpose3A_662 = tpu.transpose %reshape3A_661, [1, 0] : vector<128x128xf32> -> vector<128x128xf32>
    %reshape3A_663 = vector.shape_cast %transpose3A_662 : vector<128x128xf32> to vector<16x8x128xf32>
    %swap3A_664 = arith.constant 80 : index
    %swap3A_665 = arith.constant 6 : index
    %swap3A_666 = arith.constant 0 : index
    %swap3A_667 = arith.constant 0 : index
    %swap3A_668 = vector.load %arg2[%swap3A_664, %swap3A_665, %swap3A_666, %swap3A_667] : memref<125x8x8x128xf32, #tpu.memory_space<vmem>>, vector<16x1x8x128xf32>
    %swap3A_669 = vector.shape_cast %swap3A_668 : vector<16x1x8x128xf32> to vector<16x8x128xf32>
    %swap3A_670 = vector.shape_cast %reshape3A_663 : vector<16x8x128xf32> to vector<16x1x8x128xf32>
    tpu.vector_store %arg2[%swap3A_664, %swap3A_665, %swap3A_666, %swap3A_667], %swap3A_670 {strides = array<i32>} : memref<125x8x8x128xf32, #tpu.memory_space<vmem>>, vector<16x1x8x128xf32>,
    %slice3A_671 = vector.extract_strided_slice %transpose3A_598 {offsets = [0, 6, 0, 0], sizes = [16, 1, 8, 128], strides = [1, 1, 1, 1]} : vector<16x8x8x128xf32> to vector<16x1x8x128xf32>
    %squeeze3A_672 = vector.shape_cast %slice3A_671 : vector<16x1x8x128xf32> to vector<16x8x128xf32>
    %reshape3A_673 = vector.shape_cast %squeeze3A_672 : vector<16x8x128xf32> to vector<128x128xf32>
    %transpose3A_674 = tpu.transpose %reshape3A_673, [1, 0] : vector<128x128xf32> -> vector<128x128xf32>
    %reshape3A_675 = vector.shape_cast %transpose3A_674 : vector<128x128xf32> to vector<16x8x128xf32>
    %swap3A_676 = arith.constant 96 : index
    %swap3A_677 = arith.constant 6 : index
    %swap3A_678 = arith.constant 0 : index
    %swap3A_679 = arith.constant 0 : index
    %swap3A_680 = vector.load %arg2[%swap3A_676, %swap3A_677, %swap3A_678, %swap3A_679] : memref<125x8x8x128xf32, #tpu.memory_space<vmem>>, vector<16x1x8x128xf32>
    %swap3A_681 = vector.shape_cast %swap3A_680 : vector<16x1x8x128xf32> to vector<16x8x128xf32>
    %swap3A_682 = vector.shape_cast %reshape3A_675 : vector<16x8x128xf32> to vector<16x1x8x128xf32>
    tpu.vector_store %arg2[%swap3A_676, %swap3A_677, %swap3A_678, %swap3A_679], %swap3A_682 {strides = array<i32>} : memref<125x8x8x128xf32, #tpu.memory_space<vmem>>, vector<16x1x8x128xf32>,
    %slice3A_683 = vector.extract_strided_slice %transpose3A_598 {offsets = [0, 7, 0, 0], sizes = [16, 1, 8, 128], strides = [1, 1, 1, 1]} : vector<16x8x8x128xf32> to vector<16x1x8x128xf32>
    %squeeze3A_684 = vector.shape_cast %slice3A_683 : vector<16x1x8x128xf32> to vector<16x8x128xf32>
    %reshape3A_685 = vector.shape_cast %squeeze3A_684 : vector<16x8x128xf32> to vector<128x128xf32>
    %transpose3A_686 = tpu.transpose %reshape3A_685, [1, 0] : vector<128x128xf32> -> vector<128x128xf32>
    %reshape3A_687 = vector.shape_cast %transpose3A_686 : vector<128x128xf32> to vector<16x8x128xf32>
    %slice3A_688 = vector.extract_strided_slice %reshape3A_687 {offsets = [0, 0, 0], sizes = [13, 8, 128], strides = [1, 1, 1]} : vector<16x8x128xf32> to vector<13x8x128xf32>
    %swap3A_689 = arith.constant 112 : index
    %swap3A_690 = arith.constant 6 : index
    %swap3A_691 = arith.constant 0 : index
    %swap3A_692 = arith.constant 0 : index
    %swap3A_693 = vector.load %arg2[%swap3A_689, %swap3A_690, %swap3A_691, %swap3A_692] : memref<125x8x8x128xf32, #tpu.memory_space<vmem>>, vector<13x1x8x128xf32>
    %swap3A_694 = vector.shape_cast %swap3A_693 : vector<13x1x8x128xf32> to vector<13x8x128xf32>
    %swap3A_695 = vector.shape_cast %slice3A_688 : vector<13x8x128xf32> to vector<13x1x8x128xf32>
    tpu.vector_store %arg2[%swap3A_689, %swap3A_690, %swap3A_691, %swap3A_692], %swap3A_695 {strides = array<i32>} : memref<125x8x8x128xf32, #tpu.memory_space<vmem>>, vector<13x1x8x128xf32>,
    %slice3A_696 = vector.extract_strided_slice %get3A_0 {offsets = [917504], sizes = [131072], strides = [1]} : vector<1048576xf32> to vector<131072xf32>
    %reshape3A_697 = vector.shape_cast %slice3A_696 : vector<131072xf32> to vector<16x8x8x128xf32>
    %transpose3A_698 = tpu.transpose %reshape3A_697, [0, 2, 1, 3] : vector<16x8x8x128xf32> -> vector<16x8x8x128xf32>
    %slice3A_699 = vector.extract_strided_slice %transpose3A_698 {offsets = [0, 0, 0, 0], sizes = [16, 1, 8, 128], strides = [1, 1, 1, 1]} : vector<16x8x8x128xf32> to vector<16x1x8x128xf32>
    %squeeze3A_700 = vector.shape_cast %slice3A_699 : vector<16x1x8x128xf32> to vector<16x8x128xf32>
    %reshape3A_701 = vector.shape_cast %squeeze3A_700 : vector<16x8x128xf32> to vector<128x128xf32>
    %transpose3A_702 = tpu.transpose %reshape3A_701, [1, 0] : vector<128x128xf32> -> vector<128x128xf32>
    %reshape3A_703 = vector.shape_cast %transpose3A_702 : vector<128x128xf32> to vector<16x8x128xf32>
    %swap3A_704 = arith.constant 0 : index
    %swap3A_705 = arith.constant 7 : index
    %swap3A_706 = arith.constant 0 : index
    %swap3A_707 = arith.constant 0 : index
    %swap3A_708 = vector.load %arg2[%swap3A_704, %swap3A_705, %swap3A_706, %swap3A_707] : memref<125x8x8x128xf32, #tpu.memory_space<vmem>>, vector<16x1x8x128xf32>
    %swap3A_709 = vector.shape_cast %swap3A_708 : vector<16x1x8x128xf32> to vector<16x8x128xf32>
    %swap3A_710 = vector.shape_cast %reshape3A_703 : vector<16x8x128xf32> to vector<16x1x8x128xf32>
    tpu.vector_store %arg2[%swap3A_704, %swap3A_705, %swap3A_706, %swap3A_707], %swap3A_710 {strides = array<i32>} : memref<125x8x8x128xf32, #tpu.memory_space<vmem>>, vector<16x1x8x128xf32>,
    %slice3A_711 = vector.extract_strided_slice %transpose3A_698 {offsets = [0, 1, 0, 0], sizes = [16, 1, 8, 128], strides = [1, 1, 1, 1]} : vector<16x8x8x128xf32> to vector<16x1x8x128xf32>
    %squeeze3A_712 = vector.shape_cast %slice3A_711 : vector<16x1x8x128xf32> to vector<16x8x128xf32>
    %reshape3A_713 = vector.shape_cast %squeeze3A_712 : vector<16x8x128xf32> to vector<128x128xf32>
    %transpose3A_714 = tpu.transpose %reshape3A_713, [1, 0] : vector<128x128xf32> -> vector<128x128xf32>
    %reshape3A_715 = vector.shape_cast %transpose3A_714 : vector<128x128xf32> to vector<16x8x128xf32>
    %swap3A_716 = arith.constant 16 : index
    %swap3A_717 = arith.constant 7 : index
    %swap3A_718 = arith.constant 0 : index
    %swap3A_719 = arith.constant 0 : index
    %swap3A_720 = vector.load %arg2[%swap3A_716, %swap3A_717, %swap3A_718, %swap3A_719] : memref<125x8x8x128xf32, #tpu.memory_space<vmem>>, vector<16x1x8x128xf32>
    %swap3A_721 = vector.shape_cast %swap3A_720 : vector<16x1x8x128xf32> to vector<16x8x128xf32>
    %swap3A_722 = vector.shape_cast %reshape3A_715 : vector<16x8x128xf32> to vector<16x1x8x128xf32>
    tpu.vector_store %arg2[%swap3A_716, %swap3A_717, %swap3A_718, %swap3A_719], %swap3A_722 {strides = array<i32>} : memref<125x8x8x128xf32, #tpu.memory_space<vmem>>, vector<16x1x8x128xf32>,
    %slice3A_723 = vector.extract_strided_slice %transpose3A_698 {offsets = [0, 2, 0, 0], sizes = [16, 1, 8, 128], strides = [1, 1, 1, 1]} : vector<16x8x8x128xf32> to vector<16x1x8x128xf32>
    %squeeze3A_724 = vector.shape_cast %slice3A_723 : vector<16x1x8x128xf32> to vector<16x8x128xf32>
    %reshape3A_725 = vector.shape_cast %squeeze3A_724 : vector<16x8x128xf32> to vector<128x128xf32>
    %transpose3A_726 = tpu.transpose %reshape3A_725, [1, 0] : vector<128x128xf32> -> vector<128x128xf32>
    %reshape3A_727 = vector.shape_cast %transpose3A_726 : vector<128x128xf32> to vector<16x8x128xf32>
    %swap3A_728 = arith.constant 32 : index
    %swap3A_729 = arith.constant 7 : index
    %swap3A_730 = arith.constant 0 : index
    %swap3A_731 = arith.constant 0 : index
    %swap3A_732 = vector.load %arg2[%swap3A_728, %swap3A_729, %swap3A_730, %swap3A_731] : memref<125x8x8x128xf32, #tpu.memory_space<vmem>>, vector<16x1x8x128xf32>
    %swap3A_733 = vector.shape_cast %swap3A_732 : vector<16x1x8x128xf32> to vector<16x8x128xf32>
    %swap3A_734 = vector.shape_cast %reshape3A_727 : vector<16x8x128xf32> to vector<16x1x8x128xf32>
    tpu.vector_store %arg2[%swap3A_728, %swap3A_729, %swap3A_730, %swap3A_731], %swap3A_734 {strides = array<i32>} : memref<125x8x8x128xf32, #tpu.memory_space<vmem>>, vector<16x1x8x128xf32>,
    %slice3A_735 = vector.extract_strided_slice %transpose3A_698 {offsets = [0, 3, 0, 0], sizes = [16, 1, 8, 128], strides = [1, 1, 1, 1]} : vector<16x8x8x128xf32> to vector<16x1x8x128xf32>
    %squeeze3A_736 = vector.shape_cast %slice3A_735 : vector<16x1x8x128xf32> to vector<16x8x128xf32>
    %reshape3A_737 = vector.shape_cast %squeeze3A_736 : vector<16x8x128xf32> to vector<128x128xf32>
    %transpose3A_738 = tpu.transpose %reshape3A_737, [1, 0] : vector<128x128xf32> -> vector<128x128xf32>
    %reshape3A_739 = vector.shape_cast %transpose3A_738 : vector<128x128xf32> to vector<16x8x128xf32>
    %swap3A_740 = arith.constant 48 : index
    %swap3A_741 = arith.constant 7 : index
    %swap3A_742 = arith.constant 0 : index
    %swap3A_743 = arith.constant 0 : index
    %swap3A_744 = vector.load %arg2[%swap3A_740, %swap3A_741, %swap3A_742, %swap3A_743] : memref<125x8x8x128xf32, #tpu.memory_space<vmem>>, vector<16x1x8x128xf32>
    %swap3A_745 = vector.shape_cast %swap3A_744 : vector<16x1x8x128xf32> to vector<16x8x128xf32>
    %swap3A_746 = vector.shape_cast %reshape3A_739 : vector<16x8x128xf32> to vector<16x1x8x128xf32>
    tpu.vector_store %arg2[%swap3A_740, %swap3A_741, %swap3A_742, %swap3A_743], %swap3A_746 {strides = array<i32>} : memref<125x8x8x128xf32, #tpu.memory_space<vmem>>, vector<16x1x8x128xf32>,
    %slice3A_747 = vector.extract_strided_slice %transpose3A_698 {offsets = [0, 4, 0, 0], sizes = [16, 1, 8, 128], strides = [1, 1, 1, 1]} : vector<16x8x8x128xf32> to vector<16x1x8x128xf32>
    %squeeze3A_748 = vector.shape_cast %slice3A_747 : vector<16x1x8x128xf32> to vector<16x8x128xf32>
    %reshape3A_749 = vector.shape_cast %squeeze3A_748 : vector<16x8x128xf32> to vector<128x128xf32>
    %transpose3A_750 = tpu.transpose %reshape3A_749, [1, 0] : vector<128x128xf32> -> vector<128x128xf32>
    %reshape3A_751 = vector.shape_cast %transpose3A_750 : vector<128x128xf32> to vector<16x8x128xf32>
    %swap3A_752 = arith.constant 64 : index
    %swap3A_753 = arith.constant 7 : index
    %swap3A_754 = arith.constant 0 : index
    %swap3A_755 = arith.constant 0 : index
    %swap3A_756 = vector.load %arg2[%swap3A_752, %swap3A_753, %swap3A_754, %swap3A_755] : memref<125x8x8x128xf32, #tpu.memory_space<vmem>>, vector<16x1x8x128xf32>
    %swap3A_757 = vector.shape_cast %swap3A_756 : vector<16x1x8x128xf32> to vector<16x8x128xf32>
    %swap3A_758 = vector.shape_cast %reshape3A_751 : vector<16x8x128xf32> to vector<16x1x8x128xf32>
    tpu.vector_store %arg2[%swap3A_752, %swap3A_753, %swap3A_754, %swap3A_755], %swap3A_758 {strides = array<i32>} : memref<125x8x8x128xf32, #tpu.memory_space<vmem>>, vector<16x1x8x128xf32>,
    %slice3A_759 = vector.extract_strided_slice %transpose3A_698 {offsets = [0, 5, 0, 0], sizes = [16, 1, 8, 128], strides = [1, 1, 1, 1]} : vector<16x8x8x128xf32> to vector<16x1x8x128xf32>
    %squeeze3A_760 = vector.shape_cast %slice3A_759 : vector<16x1x8x128xf32> to vector<16x8x128xf32>
    %reshape3A_761 = vector.shape_cast %squeeze3A_760 : vector<16x8x128xf32> to vector<128x128xf32>
    %transpose3A_762 = tpu.transpose %reshape3A_761, [1, 0] : vector<128x128xf32> -> vector<128x128xf32>
    %reshape3A_763 = vector.shape_cast %transpose3A_762 : vector<128x128xf32> to vector<16x8x128xf32>
    %swap3A_764 = arith.constant 80 : index
    %swap3A_765 = arith.constant 7 : index
    %swap3A_766 = arith.constant 0 : index
    %swap3A_767 = arith.constant 0 : index
    %swap3A_768 = vector.load %arg2[%swap3A_764, %swap3A_765, %swap3A_766, %swap3A_767] : memref<125x8x8x128xf32, #tpu.memory_space<vmem>>, vector<16x1x8x128xf32>
    %swap3A_769 = vector.shape_cast %swap3A_768 : vector<16x1x8x128xf32> to vector<16x8x128xf32>
    %swap3A_770 = vector.shape_cast %reshape3A_763 : vector<16x8x128xf32> to vector<16x1x8x128xf32>
    tpu.vector_store %arg2[%swap3A_764, %swap3A_765, %swap3A_766, %swap3A_767], %swap3A_770 {strides = array<i32>} : memref<125x8x8x128xf32, #tpu.memory_space<vmem>>, vector<16x1x8x128xf32>,
    %slice3A_771 = vector.extract_strided_slice %transpose3A_698 {offsets = [0, 6, 0, 0], sizes = [16, 1, 8, 128], strides = [1, 1, 1, 1]} : vector<16x8x8x128xf32> to vector<16x1x8x128xf32>
    %squeeze3A_772 = vector.shape_cast %slice3A_771 : vector<16x1x8x128xf32> to vector<16x8x128xf32>
    %reshape3A_773 = vector.shape_cast %squeeze3A_772 : vector<16x8x128xf32> to vector<128x128xf32>
    %transpose3A_774 = tpu.transpose %reshape3A_773, [1, 0] : vector<128x128xf32> -> vector<128x128xf32>
    %reshape3A_775 = vector.shape_cast %transpose3A_774 : vector<128x128xf32> to vector<16x8x128xf32>
    %swap3A_776 = arith.constant 96 : index
    %swap3A_777 = arith.constant 7 : index
    %swap3A_778 = arith.constant 0 : index
    %swap3A_779 = arith.constant 0 : index
    %swap3A_780 = vector.load %arg2[%swap3A_776, %swap3A_777, %swap3A_778, %swap3A_779] : memref<125x8x8x128xf32, #tpu.memory_space<vmem>>, vector<16x1x8x128xf32>
    %swap3A_781 = vector.shape_cast %swap3A_780 : vector<16x1x8x128xf32> to vector<16x8x128xf32>
    %swap3A_782 = vector.shape_cast %reshape3A_775 : vector<16x8x128xf32> to vector<16x1x8x128xf32>
    tpu.vector_store %arg2[%swap3A_776, %swap3A_777, %swap3A_778, %swap3A_779], %swap3A_782 {strides = array<i32>} : memref<125x8x8x128xf32, #tpu.memory_space<vmem>>, vector<16x1x8x128xf32>,
    %slice3A_783 = vector.extract_strided_slice %transpose3A_698 {offsets = [0, 7, 0, 0], sizes = [16, 1, 8, 128], strides = [1, 1, 1, 1]} : vector<16x8x8x128xf32> to vector<16x1x8x128xf32>
    %squeeze3A_784 = vector.shape_cast %slice3A_783 : vector<16x1x8x128xf32> to vector<16x8x128xf32>
    %reshape3A_785 = vector.shape_cast %squeeze3A_784 : vector<16x8x128xf32> to vector<128x128xf32>
    %transpose3A_786 = tpu.transpose %reshape3A_785, [1, 0] : vector<128x128xf32> -> vector<128x128xf32>
    %reshape3A_787 = vector.shape_cast %transpose3A_786 : vector<128x128xf32> to vector<16x8x128xf32>
    %slice3A_788 = vector.extract_strided_slice %reshape3A_787 {offsets = [0, 0, 0], sizes = [13, 8, 128], strides = [1, 1, 1]} : vector<16x8x128xf32> to vector<13x8x128xf32>
    %swap3A_789 = arith.constant 112 : index
    %swap3A_790 = arith.constant 7 : index
    %swap3A_791 = arith.constant 0 : index
    %swap3A_792 = arith.constant 0 : index
    %swap3A_793 = vector.load %arg2[%swap3A_789, %swap3A_790, %swap3A_791, %swap3A_792] : memref<125x8x8x128xf32, #tpu.memory_space<vmem>>, vector<13x1x8x128xf32>
    %swap3A_794 = vector.shape_cast %swap3A_793 : vector<13x1x8x128xf32> to vector<13x8x128xf32>
    %swap3A_795 = vector.shape_cast %slice3A_788 : vector<13x8x128xf32> to vector<13x1x8x128xf32>
    tpu.vector_store %arg2[%swap3A_789, %swap3A_790, %swap3A_791, %swap3A_792], %swap3A_795 {strides = array<i32>} : memref<125x8x8x128xf32, #tpu.memory_space<vmem>>, vector<13x1x8x128xf32>,
    return
  }
  func.func @transform_0(%arg0: i32) -> i32 {
    %c0_i32 = arith.constant 0 : i32
    return %arg0 : i32
  }
  func.func @transform_1(%arg0: i32) -> (i32, i32, i32, i32) {
    %c0_i32 = arith.constant 0 : i32
    %c0_i32_0 = arith.constant 0 : i32
    %c0_i32_1 = arith.constant 0 : i32
    %c0_i32_2 = arith.constant 0 : i32
    return %c0_i32, %arg0, %c0_i32_0, %c0_i32_1 : i32, i32, i32, i32
  }
}

module attributes {stable_mosaic.version = 14 : i64} {
  func.func @_loss_body(%arg0: memref<32x16xf32, #tpu.memory_space<vmem>>, %arg1: memref<1x1xf32, #tpu.memory_space<vmem>>) attributes {dimension_semantics = [], scalar_prefetch = 0 : i64, scratch_operands = 0 : i64, tpu.core_type = #tpu.core_type<tc>} {
    %get3A = arith.constant 0 : index
    %get3A_0 = arith.constant 0 : index
    %get3A_1 = vector.load %arg0[%get3A, %get3A_0] : memref<32x16xf32, #tpu.memory_space<vmem>>, vector<32x16xf32>
    %reduce_sum3A = vector.shape_cast %get3A_1 : vector<32x16xf32> to vector<1x32x16xf32>
    %reduce_sum3A_2 = arith.constant dense<0.000000e+00> : vector<1xf32>
    %reduce_sum3A_3 = vector.multi_reduction <add>, %reduce_sum3A, %reduce_sum3A_2 [1, 2] : vector<1x32x16xf32> to vector<1xf32>
    %reduce_sum3A_4 = vector.shape_cast %reduce_sum3A_3 : vector<1xf32> to vector<1x1x1xf32>
    %reduce_sum3A_5 = vector.extract %reduce_sum3A_4[0, 0, 0] : f32 from vector<1x1x1xf32>
    %mul3A = arith.constant 1.95312496E-5 : f32
    %mul3A_6 = arith.mulf %reduce_sum3A_5, %mul3A : f32
    %broadcast_in_dim3A = vector.broadcast %mul3A_6 : f32 to vector<1x1xf32>
    %swap3A = arith.constant 0 : index
    %swap3A_7 = arith.constant 0 : index
    %swap3A_8 = vector.load %arg1[%swap3A, %swap3A_7] : memref<1x1xf32, #tpu.memory_space<vmem>>, vector<1x1xf32>
    tpu.vector_store %arg1[%swap3A, %swap3A_7], %broadcast_in_dim3A {strides = array<i32>} : memref<1x1xf32, #tpu.memory_space<vmem>>, vector<1x1xf32>,
    return
  }
}

</mosaic_0001>

<sc_bundles>
// kernel: kernel.6.cloned.1.call-start
scs
__scs_entry_jumppad:
0x0: {  	(pc) =	sbr.rel $0x88, $3  }
0x1: {  	(tag) =	ssettag $0x0;
	lr =	simm.s32 $0x1  }
0x2: {  	[smem:$0x3F9E] =	sst lr;
	_ =	strace $0xD0000000  }
0x3: {  	_ = 	snop  }
0x4: {  	_ = 	snop  }
0x5: {  	_ = 	snop  }
0x6: {  	_ = 	snop  }
0x7: {  	_ = 	snop  }
__scs_overlays_trampoline_lowered:
0x8: {  	[smem:$0x3FAD] =	sst s0  }
0x9: {  	[smem:$0x3FAE] =	sst s1  }
0xa: {  	[smem:$0x3FAF] =	sst s2  }
0xb: {  	[smem:$0x3FB0] =	sst s3  }
0xc: {  	[smem:$0x3FB1] =	sst s4  }
0xd: {  	[smem:$0x3FB2] =	sst s5  }
0xe: {  	[smem:$0x3FB3] =	sst s6  }
0xf: {  	[smem:$0x3FB4] =	sst s7  }
0x10: {  	[smem:$0x3FB5] =	sst s8  }
0x11: {  	[smem:$0x3FB6] =	sst s9;
	s0 =	simm.s32 @!p0 $0x0  }
0x12: {  	s1 =	sld [smem:$0x3F9C];
	s0 =	simm.s32 @p0 $0x1  }
0x13: {  	[smem:$0x3FB7] =	sst s0;
	s0 =	simm.s32 @!p1 $0x0  }
0x14: {  	s2 =	sld [smem:$0x3F9B];
	s0 =	simm.s32 @p1 $0x1  }
0x15: {  	[smem:$0x3FB8] =	sst s0;
	s0 =	simm.s32 @!p2 $0x0  }
0x16: {  	s3 =	sld [smem:$0x3FDB];
	s0 =	simm.s32 @p2 $0x1  }
0x17: {  	s4 =	simm.s32 $0x1BF5;
	[smem:$0x3FBA] =	sst s0  }
0x18: {  	s0 =	sld [smem:$0x3F9D];
	_ =	swait.ge [sflag:s4], $0x0  }
0x19: {  	s7 =	sld [smem:$0x3F9E]  }
0x1a: {  	s8 =	sadd.s32 $0xFFFFE003, lr  }
0x1b: {  	s9 =	sadd.s32 $0xFFFFFEF7, lr;
	s5 =	simm.s32 $0xFFFFFFFF;
	p2 =	slt.u32 s8, $0xFFFFF086  }
0x1c: {  	p1 =	slt.u32 s9, $0xF7A;
	s5 =	simm.s32 @!p2 $0x0  }
0x1d: {  	s5 =	simm.s32 @p1 $0x1;
	p0 =	seq.s32 s7, s2  }
0x1e: {  	s7 =	smul.u32 @!p0 $0xF7A, s2;
	p2 =	seq.s32 @!p0 s5, $0x0  }
0x1f: {  	s9 =	smul.u32 $0xF7A, s1;
	s8 =	simm.s32 @!p0 $0x1BF5;
	p2 =	por !p2, p0  }
0x20: {  	[sflag:s8] =	ssyncset.s32 @!p0 $0xFFFFF086;
	s6 =	sadd.s32 @!p0 s3, s7;
	s7 =	simm.s32 @!p0 $0x108  }
0x21: {  	s3 =	sadd.s32 s3, s9;
	s6 =	sadd.s32 @!p0 $0x88, s6;
	s7 =	simm.s32 @p2 $0x1082  }
0x22: {  	[simem:s7], [sflag:s8] =	dma.local @!p0 [hbm:s6], $0xF7A  }
0x23: {  	s9 =	sor.u32 $0xD0000000, s2;
	s6 =	simm.s32 $0x108;
	_ =	swait.ge @!p0 [sflag:s8], $0x0  }
0x24: {  	s3 =	sadd.s32 $0x88, s3;
	s6 =	simm.s32 @!p1 $0x1082;
	[sflag:s4] =	ssyncset.s32 $0xFFFFF086  }
0x25: {  	[simem:s6], [sflag:s4] =	dma.local [hbm:s3], $0xF7A  }
0x26: {  	[smem:$0x3F9E] =	sst s1;
	(tag) =	ssettag s2;
	_ =	strace s9  }
0x27: {  	s1 =	sld [smem:$0x3FAE]  }
0x28: {  	s2 =	sld [smem:$0x3FAF]  }
0x29: {  	s4 =	sld [smem:$0x3FB1]  }
0x2a: {  	p0 =	seq.s32 s5, $0x0;
	s5 =	sld [smem:$0x3FB2]  }
0x2b: {  	s6 =	sld [smem:$0x3FB3]  }
0x2c: {  	s7 =	sld [smem:$0x3FB4]  }
0x2d: {  	s3 =	simm.s32 $0x108;
	s8 =	sld [smem:$0x3FB5]  }
0x2e: {  	s3 =	simm.s32 @!p0 $0x1082;
	s9 =	sld [smem:$0x3FB6]  }
0x2f: {  	lr =	sadd.s32 s0, s3;
	s0 =	sld [smem:$0x3FAD]  }
0x30: {  	s3 =	sld [smem:$0x3FB0]  }
0x31: {  	[smem:$0x3FB9] =	sst s10  }
0x32: {  	s10 =	sld [smem:$0x3FB7];
	_ =	sdelay $0x3  }
0x33: {  	p0 =	seq.s32 s10, $0x1;
	s10 =	sld [smem:$0x3FB9];
	_ =	sdelay $0x3  }
0x34: {  	[smem:$0x3FB9] =	sst s10  }
0x35: {  	s10 =	sld [smem:$0x3FB8];
	_ =	sdelay $0x3  }
0x36: {  	p1 =	seq.s32 s10, $0x1;
	s10 =	sld [smem:$0x3FB9];
	_ =	sdelay $0x3  }
0x37: {  	[smem:$0x3FB9] =	sst s10  }
0x38: {  	s10 =	sld [smem:$0x3FBA]  }
0x39: {  	_ = 	snop;
	(pc) =	sbr.ind lr, $3  }
0x3a: {  	_ = 	snop  }
0x3b: {  	_ = 	snop  }
0x3c: {  	p2 =	seq.s32 s10, $0x1;
	s10 =	sld [smem:$0x3FB9]  }
0x3d: {  	_ =	shalt  }
0x3e: {  	_ =	shalt  }
0x3f: {  	_ =	shalt  }
0x40: {  	_ =	shalt  }
0x41: {  	_ =	shalt  }
0x42: {  	_ =	shalt  }
0x43: {  	_ =	shalt  }
0x44: {  	_ =	shalt  }
0x45: {  	_ =	shalt  }
0x46: {  	_ =	shalt  }
0x47: {  	_ =	shalt  }
0x48: {  	_ =	shalt  }
0x49: {  	_ =	shalt  }
0x4a: {  	_ =	shalt  }
0x4b: {  	_ =	shalt  }
0x4c: {  	_ =	shalt  }
0x4d: {  	_ =	shalt  }
0x4e: {  	_ =	shalt  }
0x4f: {  	_ =	shalt  }
0x50: {  	_ =	shalt  }
0x51: {  	_ =	shalt  }
0x52: {  	_ =	shalt  }
0x53: {  	_ =	shalt  }
0x54: {  	_ =	shalt  }
0x55: {  	_ =	shalt  }
0x56: {  	_ =	shalt  }
0x57: {  	_ =	shalt  }
0x58: {  	_ =	shalt  }
0x59: {  	_ =	shalt  }
0x5a: {  	_ =	shalt  }
0x5b: {  	_ =	shalt  }
0x5c: {  	_ =	shalt  }
0x5d: {  	_ =	shalt  }
0x5e: {  	_ =	shalt  }
0x5f: {  	_ =	shalt  }
0x60: {  	_ =	shalt  }
0x61: {  	_ =	shalt  }
0x62: {  	_ =	shalt  }
0x63: {  	_ =	shalt  }
0x64: {  	_ =	shalt  }
0x65: {  	_ =	shalt  }
0x66: {  	_ =	shalt  }
0x67: {  	_ =	shalt  }
0x68: {  	_ =	shalt  }
0x69: {  	_ =	shalt  }
0x6a: {  	_ =	shalt  }
0x6b: {  	_ =	shalt  }
0x6c: {  	_ =	shalt  }
0x6d: {  	_ =	shalt  }
0x6e: {  	_ =	shalt  }
0x6f: {  	_ =	shalt  }
0x70: {  	_ =	shalt  }
0x71: {  	_ =	shalt  }
0x72: {  	_ =	shalt  }
0x73: {  	_ =	shalt  }
0x74: {  	_ =	shalt  }
0x75: {  	_ =	shalt  }
0x76: {  	_ =	shalt  }
0x77: {  	_ =	shalt  }
0x78: {  	_ =	shalt  }
0x79: {  	_ =	shalt  }
0x7a: {  	_ =	shalt  }
0x7b: {  	_ =	shalt  }
0x7c: {  	_ =	shalt  }
0x7d: {  	_ =	shalt  }
0x7e: {  	_ =	shalt  }
0x7f: {  	_ =	shalt  }
0x80: {  	_ =	shalt  }
0x81: {  	_ =	shalt  }
0x82: {  	_ =	shalt  }
0x83: {  	_ =	shalt  }
0x84: {  	_ =	shalt  }
0x85: {  	_ =	shalt  }
0x86: {  	_ =	shalt  }
0x87: {  	_ =	shalt  }
.Lfunc_end0:
.L_simem_size_0:
called_computation_lowered:
.L_overlay_start_0:
0x88: {  	s2 =	sld [smem:$0x3FD9]  }
0x89: {  	s3 =	sld [smem:$0x3FFE];
	_ =	sdelay $0x1  }
0x8a: {  	s1 =	srdreg.scid  }
0x8b: {  	s0 =	sand.u32 $0x1, s1  }
0x8c: {  	s14 =	sshll.u32 s0, $0xA;
	s2 =	sadd.s32 s3, s2  }
0x8d: {  	s2 =	sadd.s32 s2, s14  }
0x8e: {  	[smem:$0x3FC5] =	sst s2  }
0x8f: {  	_ = 	snop  }
0x90: {  	s2 =	sld [smem:$0x3FD0];
	_ =	sdelay $0x2  }
0x91: {  	s15 =	simm.s32 $0xA;
	s4 =	simm.s32 $0x10  }
0x92: {  	[smem:s4], [sflag:s15] =	dma.local [hbm:s2], $0x1  }
0x93: {  	_ =	swait.eq [sflag:s15], $0x1  }
0x94: {  	[sflag:s15] =	ssyncset.done $0x0  }
0x95: {  	[sflag:s15] =	ssyncadd.s32 $0xFFFFFFFF  }
0x96: {  	s16 =	sld [smem:$0x10];
	(tm) =	ssettm $0x1  }
0x97: {  	s17 =	sld [smem:$0x3FFB];
	_ =	sdelay $0x3  }
0x98: {  	_ =	strace s17  }
0x99: {  	s3 =	sld [smem:$0x3FFC];
	_ =	sdelay $0x3  }
0x9a: {  	_ =	strace s3  }
0x9b: {  	s3 =	sld [smem:$0x3FFD];
	_ =	sdelay $0x3  }
0x9c: {  	_ =	strace s3  }
0x9d: {  	_ =	strace $0x8FFFFFFF  }
0x9e: {  	s18 =	sld [smem:$0x3FDB];
	_ =	sdelay $0x1  }
0x9f: {  	s19 =	simm.s32 $_scs_section_size  }
0xa0: {  	s5 =	simm.s32 $_size__tile_overlayer_lowered;
	s6 =	simm.s32 $_tile_overlayer_lowered  }
0xa1: {  	s22 =	simm.s32 $0x1BFF;
	s21 =	sshll.u32 s6, $0x1;
	s3 =	sadd.s32 s19, s18  }
0xa2: {  	s7 =	simm.s32 $0x0;
	s20 =	sshll.u32 s5, $0x1;
	s5 =	sadd.s32 s21, s3  }
0xa3: {  	[timem:s7], [sflag:s22] =	dma.local [hbm:s5], s20  }
0xa4: {  	_ =	swait.ge [sflag:s22], s20  }
0xa5: {  	s4 =	ssub.s32 $0x0, s20;
	[sflag:s22] =	ssyncset.done $0x0  }
0xa6: {  	[sflag:s22] =	ssyncadd.s32 s4;
	_ =	sdelay $0x1  }
0xa7: {  	s23 =	simm.s32 $0x1B8B  }
0xa8: {  	_ =	swait.ge [sflag:s23], $0x1  }
0xa9: {  	[sflag:s23] =	ssyncset.done $0x0  }
0xaa: {  	s25 =	simm.s32 $0x1B8E;
	s24 =	sld [smem:$0x3FFE];
	[sflag:s23] =	ssyncadd.s32 $0xFFFFFFFF  }
0xab: {  	s26 =	simm.s32 $execute0_lowered;
	[smem:$0x3FD2] =	sst s25  }
0xac: {  	s5 =	sshll.u32 s26, $0x1;
	_ =	strace $0x80000046;
	[dreg:$0x1] =	wrdreg $0xFFFFFFFF  }
0xad: {  	s28 =	simm.s32 $_size_execute0_lowered;
	s3 =	sadd.s32 s3, s5;
	[dreg:$0x0] =	wrdreg $0x0  }
0xae: {  	s5 =	sshll.u32 s28, $0x1;
	[dreg:$0x2] =	wrdreg s3  }
0xaf: {  	[dreg:$0x3] =	wrdreg s5  }
0xb0: {  	[dreg:$0x4] =	wrdreg $0xC0  }
0xb1: {  	_ =	task [dreg:s7], $0x5FFFF  }
0xb2: {  	[dreg:$0x1] =	wrdreg $0xFFFFFFFF  }
0xb3: {  	[dreg:$0x0] =	wrdreg $0x60  }
0xb4: {  	[dreg:$0x2] =	wrdreg s16  }
0xb5: {  	[dreg:$0x3] =	wrdreg s24  }
0xb6: {  	[dreg:$0x4] =	wrdreg $0x9  }
0xb7: {  	_ =	task.clear_ibuf [dreg:s7], $0x5FFFF;
	_ =	strace $0x90000046  }
0xb8: {  	s29 =	simm.s32 $0x9;
	_ =	strace $0x80000048  }
0xb9: {  	_ =	swait.ge [sflag:s29], $0x1  }
0xba: {  	[sflag:s29] =	ssyncadd.s32 $0xFFFFFFFF  }
0xbb: {  	_ =	strace $0x90000048  }
0xbc: {  	_ =	sfence  }
0xbd: {  	s30 =	sld [smem:$0x0];
	_ =	sdelay $0x2  }
0xbe: {  	s31 =	sshll.u32 s1, $0xD;
	s1 =	sshrl.u32 s1, $0x2  }
0xbf: {  	s3 =	sand.u32 $0x4000, s31;
	s1 =	sadd.s32 s1, s30  }
0xc0: {  	s0 =	sor.u32 s3, s0;
	s1 =	sshll.u32 s1, $0x11  }
0xc1: {  	s0 =	sor.u32 s1, s0  }
0xc2: {  	s0 =	sadd.s32 $0x8F2B, s0  }
0xc3: {  	[sflag:s0] =	ssyncadd.remote.s32 $0x1  }
0xc4: {  	_ =	sfence.sel $0xFFFF  }
0xc5: {  	[dreg:$0x0] =	wrdreg $0xFFFFFFFF;
	(pc) =	sbr.abs _section_cstart, $3  }
0xc6: {  	[dreg:$0x1] =	wrdreg $0xFFFFFFFF  }
0xc7: {  	_ =	task.clear_ibuf [dreg:s7], $0x2FFFF;
	_ =	strace $0x9FFFFFFF  }
0xc8: {  	(tm) =	ssettm $0x7FFFFFFF  }
0xc9: {  	_ =	shalt  }
tec
execute0_lowered:
.L_overlay_start_1:
0x0: {  	(tag) =	ssettag $0x1  }
0x1: {  	s1 =	srdreg.scid  }
0x2: {  	s0 =	stileid.u32;
	s2 =	rddreg [dreg:$0x0]  }
0x3: {  	s5 =	rddreg [dreg:$0x1];
	s3 =	simm.s32 $0x0;
	s14 =	simm.s32 $0x20  }
0x4: {  	s15 =	simm.s32 $0x1078;
	s16 =	simm.s32 $0x8D78;
	s17 =	simm.s32 $0x1  }
0x5: {  	s18 =	simm.s32 $0x3E8;
	s19 =	simm.s32 $0x400;
	s20 =	simm.s32 $0x2  }
0x6: {  	s21 =	simm.s32 $0x3;
	s22 =	simm.s32 $0x4;
	s23 =	simm.s32 $0x1068  }
0x7: {  	s24 =	simm.s32 $0x0;
	s8 =	sand.u32 $0x1, s1;
	s9 =	smul.u32 $0xC80, s0  }
0x8: {  	s26 =	sshll.u32 s0, $0x1;
	[smem:$0x7FF] =	sst s3;
	s29 =	smul.u32 $0x64000, s0  }
0x9: {  	s12 =	sadd.s32 $0x3E00, s5;
	s6 =	sor.u32 s8, s26;
	s11 =	smul.u32 $0x640, s8  }
0xa: {  	_ =	strace $0x80000047;
	s10 =	ssub.s32 $0x2, s8;
	s30 =	smul.u32 $0x32000, s8  }
0xb: {  	s4 =	smul.u32 $0x640, s6;
	s6 =	sshll.u32 s6, $0x1;
	s28 =	sshrl.u32 s10, $0x1  }
0xc: {  	s31 =	sadd.s32 s29, s12;
	s13 =	sadd.s32 s6, s5;
	s10 =	ssub.s32 s10, s28  }
0xd: {  	s9 =	sadd.s32 s11, s9;
	s11 =	simm.s32 $0x5;
	s4 =	sshrl.u32 s4, $0x3  }
0xe: {  	v0 =	vlaneseq.u32;
	s9 =	sshll.u32 s9, $0x7;
	s8 =	smax.u32 s10, $0x1;
	s10 =	sadd.s32 s30, s31  }
0xf: {  	v0 =	vmul.u32 $0x3E8, v0;
	s7 =	sadd.s32 s4, s5;
	s4 =	sadd.s32 $0x3C00, s5;
	s9 =	sadd.s32 s9, s12  }
0x10: {  	s12 =	simm.s32 $0x640;
	s5 =	sadd.s32 $0x800, s7;
	s6 =	sadd.s32 $0x2200, s7  }
0x11: {  	v1 =	vimm.f32 $0.0e+00;
	v2 =	vadd.s32 $0x3E80, v0;
	s7 =	sadd.s32 $0x643E00, s13;
	s9 =	sadd.s32 $0x1000, s9;
	s13 =	simm.s32 $0xC80  }
.LBB2_1:
0x12: {  	[tilespmem:s3], [sflag:$0x5] =	stream.linear.gather [hbm4b:s5+s3], $0x640, $0x38;
	[tilespmem:$0x10A78] =	vst v63  }
0x13: {  	_ =	swait.ge [sflag:s11], $0x640  }
0x14: {  	[sflag:s11] =	ssyncset.done $0x0  }
0x15: {  	[sflag:s11] =	ssyncadd.s32 $0xFFFFF9C0  }
0x16: {  	[tilespmem:s12], [sflag:$0x5] =	stream.linear.gather [hbm4b:s6+s3], $0x640, $0x38;
	[tilespmem:$0x10A78] =	vst v63  }
0x17: {  	_ =	swait.ge [sflag:s11], $0x640  }
0x18: {  	[sflag:s11] =	ssyncset.done $0x0  }
0x19: {  	[sflag:s11] =	ssyncadd.s32 $0xFFFFF9C0  }
0x1a: {  	[tilespmem:s13], [sflag:$0x5] =	stream.linear.gather [hbm4b:s4+s3], $0x3E8, $0x38;
	[tilespmem:$0x10A78] =	vst v63  }
0x1b: {  	_ =	swait.ge [sflag:s11], $0x3E8  }
0x1c: {  	[sflag:s11] =	ssyncset.done $0x0  }
0x1d: {  	[sflag:s11] =	ssyncadd.s32 $0xFFFFFC18  }
0x1e: {  	s25 =	smov.u32 s10;
	s26 =	smov.u32 s9;
	s28 =	simm.s32 $0x0;
	[tilespmem:$0x1068] =	vst v1  }
0x1f: {  	[tilespmem:s15], [sflag:$0x1] =	stream.indirect.gather [hbm4b:s2+s14], $0x3E8, s3, s14, $0xb8;
	[tilespmem:$0x10A78] =	vst v63  }
.LBB2_2:
0x20: {  	p0 =	seq.s32 s28, $0x0  }
0x21: {  	s29 =	simm.s32 @!p0 $0x4  }
0x22: {  	_ =	swait.ge @!p0 [sflag:s29], $0x7D00  }
0x23: {  	s30 =	sshra.s32 s28, $0x2;
	[sflag:s29] =	ssyncset.done @!p0 $0x0  }
0x24: {  	s31 =	sadd.s32 $0x20, s30;
	[sflag:s29] =	ssyncadd.s32 @!p0 $0xFFFF8300  }
0x25: {  	[tilespmem:s16], [sflag:$0x2] =	stream.indirect.gather [hbm4b:s2+s14], $0x3E8, s31, s14, $0xb8;
	[tilespmem:$0x10A78] =	vst v63  }
0x26: {  	_ =	swait.ge [sflag:s17], $0x7D00  }
0x27: {  	[sflag:s17] =	ssyncset.done $0x0  }
0x28: {  	[sflag:s17] =	ssyncadd.s32 $0xFFFF8300  }
0x29: {  	v3 =	vld [tilespmem:s30+$0x640]  }
0x2a: {  	v4 =	vld [tilespmem:s30+$0x0];
	_ =	sdelay $0x3  }
0x2b: {  	v3 =	vadd.s32 v0, v3;
	_ =	sdelay $0x3  }
0x2c: {  	v4 =	vld.idx.msk [tilespmem:v4+s13+$0x0], $0xffff  }
0x2d: {  	v3 =	vld.idx.msk [tilespmem:v3+s15+$0x0], $0xffff;
	_ =	sdelay $0x1  }
0x2e: {  	v5 =	vld [tilespmem:$0x1068];
	_ =	sdelay $0x2  }
0x2f: {  	v3 =	vsub.f32 v4, v3;
	_ =	sdelay $0x1  }
0x30: {  	v3 =	vadd.f32 v3, v5;
	_ =	sdelay $0x1  }
0x31: {  	[tilespmem:$0x1068] =	vst v3  }
0x32: {  	v58 =	vld [tilespmem:s30+$0x650]  }
0x33: {  	v59 =	vld [tilespmem:s30+$0x10];
	_ =	sdelay $0x3  }
0x34: {  	v4 =	vadd.s32 v2, v58;
	_ =	sdelay $0x3  }
0x35: {  	v5 =	vld.idx.msk [tilespmem:v59+s13+$0x0], $0xffff  }
0x36: {  	v4 =	vld.idx.msk [tilespmem:v4+s15+$0x0], $0xffff;
	_ =	sdelay $0x4  }
0x37: {  	v4 =	vsub.f32 v5, v4;
	_ =	sdelay $0x1  }
0x38: {  	v3 =	vadd.f32 v4, v3  }
0x39: {  	p0 =	seq.s32 s28, $0x1800  }
0x3a: {  	s29 =	simm.s32 @!p0 $0x3;
	[tilespmem:$0x1068] =	vst v3  }
0x3b: {  	[hbm4b:s25+s18] =	stream.strided.scatter [tilespmem:s15], [sflag:$0x3], $0x7D00, s19, s18, $0x38;
	[tilespmem:$0x10A78] =	vst v63  }
0x3c: {  	_ =	swait.ge @!p0 [sflag:s29], $0x7D00  }
0x3d: {  	[sflag:s29] =	ssyncset.done @!p0 $0x0  }
0x3e: {  	[sflag:s29] =	ssyncadd.s32 @!p0 $0xFFFF8300;
	s29 =	sshra.s32 @!p0 s28, $0x2  }
0x3f: {  	s31 =	simm.s32 @!p0 $0x20;
	s1 =	simm.s32 @!p0 $0x1078;
	s29 =	sadd.s32 @!p0 $0x40, s29  }
0x40: {  	[tilespmem:s1], [sflag:$0x1] =	stream.indirect.gather @!p0 [hbm4b:s2+s31], $0x3E8, s29, s31, $0xb8;
	[tilespmem:$0x10A78] =	vst v63  }
0x41: {  	_ =	swait.ge [sflag:s20], $0x7D00  }
0x42: {  	[sflag:s20] =	ssyncset.done $0x0  }
0x43: {  	[sflag:s20] =	ssyncadd.s32 $0xFFFF8300  }
0x44: {  	v3 =	vld [tilespmem:s30+$0x660]  }
0x45: {  	v60 =	vld [tilespmem:s30+$0x20];
	_ =	sdelay $0x3  }
0x46: {  	v3 =	vadd.s32 v0, v3;
	_ =	sdelay $0x3  }
0x47: {  	v4 =	vld.idx.msk [tilespmem:v60+s13+$0x0], $0xffff  }
0x48: {  	v3 =	vld.idx.msk [tilespmem:v3+s16+$0x0], $0xffff;
	_ =	sdelay $0x1  }
0x49: {  	v61 =	vld [tilespmem:$0x1068];
	_ =	sdelay $0x2  }
0x4a: {  	v3 =	vsub.f32 v4, v3;
	_ =	sdelay $0x1  }
0x4b: {  	v3 =	vadd.f32 v3, v61;
	_ =	sdelay $0x1  }
0x4c: {  	[tilespmem:$0x1068] =	vst v3  }
0x4d: {  	v62 =	vld [tilespmem:s30+$0x670]  }
0x4e: {  	v63 =	vld [tilespmem:s30+$0x30];
	_ =	sdelay $0x3  }
0x4f: {  	v4 =	vadd.s32 v2, v62;
	_ =	sdelay $0x3  }
0x50: {  	v5 =	vld.idx.msk [tilespmem:v63+s13+$0x0], $0xffff  }
0x51: {  	v4 =	vld.idx.msk [tilespmem:v4+s16+$0x0], $0xffff;
	_ =	sdelay $0x4  }
0x52: {  	s28 =	sadd.s32 $0x100, s28;
	v4 =	vsub.f32 v5, v4  }
0x53: {  	p0 =	sne.s32 s28, $0x1900  }
.Ltmp0:
0x54: {  	v3 =	vadd.f32 v4, v3;
	(pc) =	sbr.rel @p0 .LBB2_2-.Ltmp0, $4  }
0x55: {  	_ = 	snop  }
0x56: {  	[tilespmem:$0x1068] =	vst v3  }
0x57: {  	[hbm4b:s26+s18] =	stream.strided.scatter [tilespmem:s16], [sflag:$0x4], $0x7D00, s19, s18, $0x38;
	[tilespmem:$0x10A78] =	vst v63  }
0x58: {  	s25 =	sadd.s32 $0x2000, s25;
	s26 =	sadd.s32 $0x2000, s26  }
0x59: {  	_ =	swait.ge [sflag:s21], $0x7D00  }
0x5a: {  	[sflag:s21] =	ssyncset.done $0x0  }
0x5b: {  	[sflag:s21] =	ssyncadd.s32 $0xFFFF8300  }
0x5c: {  	s24 =	sadd.s32 $0x1, s24;
	_ =	swait.ge [sflag:s22], $0x7D00  }
0x5d: {  	p0 =	sne.s32 s24, s8;
	[sflag:s22] =	ssyncset.done $0x0  }
.Ltmp1:
0x5e: {  	[sflag:s22] =	ssyncadd.s32 $0xFFFF8300;
	(pc) =	sbr.rel @p0 .LBB2_1-.Ltmp1, $4  }
0x5f: {  	[hbm4b:s7+s3] =	stream.linear.scatter [tilespmem:s23], [sflag:$0x5], $0x10, $0x38;
	[tilespmem:$0x10A78] =	vst v63  }
0x60: {  	_ =	swait.ge [sflag:s11], $0x10  }
0x61: {  	[sflag:s11] =	ssyncset.done $0x0  }
0x62: {  	[sflag:s11] =	ssyncadd.s32 $0xFFFFFFF0  }
0x63: {  	_ =	sfence.sel $0x180000  }
0x64: {  	[bflag:$0x0] =	sbarrier.arrive $0xFFFF  }
0x65: {  	_ =	strace $0x90000047  }
0x66: {  	[bflag:$0x2] =	sbarrier.arrive $0xFFFF  }
0x67: {  	p0 =	sne.s32 s0, $0x0;
	s0 =	rddreg [dreg:$0x2]  }
0x68: {  	s0 =	sadd.s32 @!p0 $0x100000, s0  }
0x69: {  	[sflag:s0] =	ssyncadd.tile.s32 @!p0 $0x1;
	_ =	shalt  }
.Lfunc_end2:
_tile_overlayer_lowered:
.L_overlay_start_2:
0x6a: {  	(tag) =	ssettag $0x2  }
0x6b: {  	s0 =	rddreg [dreg:$0x0];
	s2 =	stileid.u32  }
0x6c: {  	s1 =	rddreg [dreg:$0x1];
	p0 =	sne.s32 s2, $0x0  }
0x6d: {  	s3 =	rddreg [dreg:$0x2];
	[bflag:$0x3] =	sbarrier.arrive $0xFFFF;
	s2 =	simm.s32 @!p0 $0x1C05  }
0x6e: {  	[timem:s3], [sflag:s2] =	dma.local @!p0 [hbm:s0], s1  }
0x6f: {  	s0 =	simm.s32 @!p0 $0x5  }
0x70: {  	_ =	swait.ge @!p0 [sflag:s0], s1  }
0x71: {  	s1 =	ssub.s32 @!p0 $0x0, s1;
	[sflag:s0] =	ssyncset.done @!p0 $0x0  }
0x72: {  	[sflag:s0] =	ssyncadd.s32 @!p0 s1  }
0x73: {  	[bflag:$0x3] =	sbarrier.arrive $0xFFFF  }
0x74: {  	_ =	shalt  }

</sc_bundles>
